<compile_context>
chip_gen: v7x
topology: tpu7x:2x2x1
jax: 0.10.2.dev20260603
libtpu: 0.0.44.dev20260713+nightly
codegen_flags: <defaults>
</compile_context>

<pallas_src>
import jax
import jax.numpy as jnp
from jax import lax
from jax.experimental import pallas as pl
from jax.experimental.pallas import tpu as pltpu
from jax.experimental.pallas import tpu_sc as plsc

DENSE = 16384
B = 4096
K = 64
NC = 2
NS = 16
L = 16
NW = NC * NS
ROWS_PER_W = B // NW
KCHUNKS = K // L
RPB = 2
NPAIR = ROWS_PER_W // RPB


def _sc_body(ids_hbm, vals_hbm, out_hbm, ids_v, vals_v, buf0,
             buf1, sem0, sem1):
    wid = lax.axis_index("s") * NC + lax.axis_index("c")
    base = wid * ROWS_PER_W

    st0 = pltpu.async_copy(ids_hbm.at[pl.ds(base, ROWS_PER_W)], ids_v, sem0)
    st1 = pltpu.async_copy(vals_hbm.at[pl.ds(base, ROWS_PER_W)], vals_v,
                           sem1)

    zeros_f = jnp.zeros((L,), jnp.float32)
    rowsel = tuple(jnp.full((L,), rr, jnp.int32) for rr in range(RPB))

    def _zero(j, _):
        for rr in range(RPB):
            buf0[rr, pl.ds(j * L, L)] = zeros_f
            buf1[rr, pl.ds(j * L, L)] = zeros_f
        return 0
    lax.fori_loop(0, DENSE // L, _zero, 0, unroll=8)
    st0.wait()
    st1.wait()

    def scatter_add_pair(buf, pair):
        for rr in range(RPB):
            row = RPB * pair + rr
            for c in range(KCHUNKS):
                idx = ids_v[row, pl.ds(c * L, L)]
                v = vals_v[row, pl.ds(c * L, L)]
                plsc.addupdate_scatter(buf, [rowsel[rr], idx], v)

    def scatter_zero_pair(buf, pair):
        for rr in range(RPB):
            row = RPB * pair + rr
            for c in range(KCHUNKS):
                idx = ids_v[row, pl.ds(c * L, L)]
                plsc.store_scatter(buf, [rowsel[rr], idx], zeros_f)

    bufs = (buf0, buf1)
    sems = (sem0, sem1)

    for b in range(2):
        scatter_add_pair(bufs[b], b)
        pltpu.async_copy(bufs[b], out_hbm.at[pl.ds(base + RPB * b, RPB)],
                         sems[b])

    def step(i, _):
        for b in range(2):
            pair = 2 * i + b
            pltpu.make_async_copy(
                bufs[b], out_hbm.at[pl.ds(base, RPB)], sems[b]).wait()
            scatter_zero_pair(bufs[b], pair - 2)
            scatter_add_pair(bufs[b], pair)
            pltpu.async_copy(
                bufs[b], out_hbm.at[pl.ds(base + RPB * pair, RPB)], sems[b])
        return 0

    lax.fori_loop(1, NPAIR // 2, step, 0, unroll=False)

    for b in range(2):
        pltpu.make_async_copy(
            bufs[b], out_hbm.at[pl.ds(base, RPB)], sems[b]).wait()


@jax.jit
def _sparse2dense(spike_ids, spike_vals):
    mesh = plsc.VectorSubcoreMesh(
        core_axis_name="c", subcore_axis_name="s",
        num_cores=NC, num_subcores=NS)
    return pl.kernel(
        _sc_body,
        out_type=jax.ShapeDtypeStruct((B, DENSE), jnp.float32),
        mesh=mesh,
        compiler_params=pltpu.CompilerParams(needs_layout_passes=False),
        scratch_types=[
            pltpu.VMEM((ROWS_PER_W, K), jnp.int32),
            pltpu.VMEM((ROWS_PER_W, K), jnp.float32),
            pltpu.VMEM((RPB, DENSE), jnp.float32),
            pltpu.VMEM((RPB, DENSE), jnp.float32),
            pltpu.SemaphoreType.DMA,
            pltpu.SemaphoreType.DMA,
        ],
    )(spike_ids, spike_vals)


def kernel(spike_ids, spike_vals):
    return _sparse2dense(spike_ids, spike_vals)

# --- scband reference (transcript-rebuilt; emitter-appended) ---
"""Pipeline reference for scband-sparse2-dense-layer-56684978372610 (READ-ONLY COPY).

The authoritative reference and input builder live on the scoring server;
editing this copy changes nothing except your own understanding.
"""

import jax, jax.numpy as jnp
import numpy as np

DENSE_SIZE = 16384
B = 4096
K = 64


def setup_inputs(seed: int = 0) -> dict:
    key = jax.random.key(seed)
    k1, _ = jax.random.split(key)
    spike_ids = jax.random.randint(k1, (B, K), 0, DENSE_SIZE, dtype=jnp.int64 if jax.config.jax_enable_x64 else jnp.int32).astype(jnp.int32)
    spike_vals = jnp.ones((B, K), dtype=jnp.float32)
    return {"spike_ids": spike_ids, "spike_vals": spike_vals}


def reference(spike_ids, spike_vals):
    # Sparse2DenseLayer: scatter sparse spikes (ids per batch row) into a dense
    # tensor of width dense_size. Equivalent to sparse2dense_ipu: each spike id
    # writes its value (1.0 for binary spikes) into the dense activation vector.
    b, k = spike_ids.shape
    rows = jnp.arange(b, dtype=spike_ids.dtype)[:, None]  # [B, 1]
    rows = jnp.broadcast_to(rows, (b, k))
    dense = jnp.zeros((b, DENSE_SIZE), dtype=spike_vals.dtype)
    dense = dense.at[rows, spike_ids].add(spike_vals)
    return dense

if __name__ == "__main__":
    import jax
    _d = setup_inputs()
    print(jax.jit(kernel)(*tuple(_d.values())))

</pallas_src>

<mosaic_0001>
#map = affine_map<(d0, d1) -> (0, 0)>
module attributes {stable_mosaic.version = 14 : i64} {
  func.func @_sc_body(%arg0: i32, %arg1: i32, %arg2: memref<4096x64xi32, #tpu.memory_space<hbm>>, %arg3: memref<4096x64xf32, #tpu.memory_space<hbm>>, %arg4: memref<4096x16384xf32, #tpu.memory_space<hbm>>, %arg5: memref<128x64xi32, #tpu.memory_space<vmem>>, %arg6: memref<128x64xf32, #tpu.memory_space<vmem>>, %arg7: memref<2x16384xf32, #tpu.memory_space<vmem>>, %arg8: memref<2x16384xf32, #tpu.memory_space<vmem>>, %arg9: memref<!tpu.dma_semaphore, #tpu.memory_space<semaphore_mem>>, %arg10: memref<!tpu.dma_semaphore, #tpu.memory_space<semaphore_mem>>) attributes {dimension_semantics = [#tpu.dimension_semantics<core_parallel>, #tpu.dimension_semantics<subcore_parallel>], iteration_bounds = array<i64: 2, 16>, scalar_prefetch = 0 : i64, scratch_operands = 6 : i64, tpu.core_type = #tpu.core_type<sc_vector_subcore>, window_params = [{transform_indices = #map}, {transform_indices = #map}, {transform_indices = #map}]} {
    %mul3A = arith.constant 2 : i32
    %mul3A_0 = arith.muli %arg1, %mul3A : i32
    %add3A = arith.addi %mul3A_0, %arg0 : i32
    %mul3A_1 = arith.constant 128 : i32
    %mul3A_2 = arith.muli %add3A, %mul3A_1 : i32
    %dma_start3A = arith.constant 0 : i32
    %dma_start3A_3 = tpu.memref_slice %arg2[%mul3A_2, %dma_start3A] : memref<4096x64xi32, #tpu.memory_space<hbm>> -> memref<128x64xi32, #tpu.memory_space<hbm>>
    %dma_start3A_4 = arith.constant 0 : i32
    %dma_start3A_5 = tpu.memref_slice %arg2[%mul3A_2, %dma_start3A_4] : memref<4096x64xi32, #tpu.memory_space<hbm>> -> memref<128x64xi32, #tpu.memory_space<hbm>>
    tpu.enqueue_dma source(%dma_start3A_5 : memref<128x64xi32, #tpu.memory_space<hbm>>) target(%arg5 : memref<128x64xi32, #tpu.memory_space<vmem>>) target_semaphore(%arg9 : memref<!tpu.dma_semaphore, #tpu.memory_space<semaphore_mem>>)
    %dma_start3A_6 = arith.constant 0 : i32
    %dma_start3A_7 = tpu.memref_slice %arg3[%mul3A_2, %dma_start3A_6] : memref<4096x64xf32, #tpu.memory_space<hbm>> -> memref<128x64xf32, #tpu.memory_space<hbm>>
    %dma_start3A_8 = arith.constant 0 : i32
    %dma_start3A_9 = tpu.memref_slice %arg3[%mul3A_2, %dma_start3A_8] : memref<4096x64xf32, #tpu.memory_space<hbm>> -> memref<128x64xf32, #tpu.memory_space<hbm>>
    tpu.enqueue_dma source(%dma_start3A_9 : memref<128x64xf32, #tpu.memory_space<hbm>>) target(%arg6 : memref<128x64xf32, #tpu.memory_space<vmem>>) target_semaphore(%arg10 : memref<!tpu.dma_semaphore, #tpu.memory_space<semaphore_mem>>)
    %broadcast_in_dim3A = arith.constant 0.000000e+00 : f32
    %broadcast_in_dim3A_10 = vector.broadcast %broadcast_in_dim3A : f32 to vector<16xf32>
    %broadcast_in_dim3A_11 = arith.constant 0 : i32
    %broadcast_in_dim3A_12 = vector.broadcast %broadcast_in_dim3A_11 : i32 to vector<16xi32>
    %broadcast_in_dim3A_13 = arith.constant 1 : i32
    %broadcast_in_dim3A_14 = vector.broadcast %broadcast_in_dim3A_13 : i32 to vector<16xi32>
    %scan3A = arith.constant 0 : i32
    %scan3A_15 = arith.constant 0 : i32
    %scan3A_16 = arith.constant 1024 : i32
    %scan3A_17 = arith.addi %scan3A_15, %scan3A_16 : i32
    %scan3A_18 = arith.constant 8 : i32
    %scan3A_19 = scf.for %scan3A_182 = %scan3A_15 to %scan3A_17 step %scan3A_18 iter_args(%scan3A_183 = %scan3A) -> (i32)  : i32 {
      %mul3A_184 = arith.constant 16 : i32
      %mul3A_185 = arith.muli %scan3A_182, %mul3A_184 : i32
      %swap3A = arith.constant 0 : i32
      %swap3A_186 = arith.index_cast %swap3A : i32 to index
      %swap3A_187 = arith.index_cast %mul3A_185 : i32 to index
      %swap3A_188 = tpu.vector_load %arg7[%swap3A_186, %swap3A_187] {strides = array<i32>} : memref<2x16384xf32, #tpu.memory_space<vmem>>, vector<16xf32>,
      tpu.vector_store %arg7[%swap3A_186, %swap3A_187], %broadcast_in_dim3A_10 {strides = array<i32>} : memref<2x16384xf32, #tpu.memory_space<vmem>>, vector<16xf32>,
      %mul3A_189 = arith.constant 16 : i32
      %mul3A_190 = arith.muli %scan3A_182, %mul3A_189 : i32
      %swap3A_191 = arith.constant 0 : i32
      %swap3A_192 = arith.index_cast %swap3A_191 : i32 to index
      %swap3A_193 = arith.index_cast %mul3A_190 : i32 to index
      %swap3A_194 = tpu.vector_load %arg8[%swap3A_192, %swap3A_193] {strides = array<i32>} : memref<2x16384xf32, #tpu.memory_space<vmem>>, vector<16xf32>,
      tpu.vector_store %arg8[%swap3A_192, %swap3A_193], %broadcast_in_dim3A_10 {strides = array<i32>} : memref<2x16384xf32, #tpu.memory_space<vmem>>, vector<16xf32>,
      %mul3A_195 = arith.constant 16 : i32
      %mul3A_196 = arith.muli %scan3A_182, %mul3A_195 : i32
      %swap3A_197 = arith.constant 1 : i32
      %swap3A_198 = arith.index_cast %swap3A_197 : i32 to index
      %swap3A_199 = arith.index_cast %mul3A_196 : i32 to index
      %swap3A_200 = tpu.vector_load %arg7[%swap3A_198, %swap3A_199] {strides = array<i32>} : memref<2x16384xf32, #tpu.memory_space<vmem>>, vector<16xf32>,
      tpu.vector_store %arg7[%swap3A_198, %swap3A_199], %broadcast_in_dim3A_10 {strides = array<i32>} : memref<2x16384xf32, #tpu.memory_space<vmem>>, vector<16xf32>,
      %mul3A_201 = arith.constant 16 : i32
      %mul3A_202 = arith.muli %scan3A_182, %mul3A_201 : i32
      %swap3A_203 = arith.constant 1 : i32
      %swap3A_204 = arith.index_cast %swap3A_203 : i32 to index
      %swap3A_205 = arith.index_cast %mul3A_202 : i32 to index
      %swap3A_206 = tpu.vector_load %arg8[%swap3A_204, %swap3A_205] {strides = array<i32>} : memref<2x16384xf32, #tpu.memory_space<vmem>>, vector<16xf32>,
      tpu.vector_store %arg8[%swap3A_204, %swap3A_205], %broadcast_in_dim3A_10 {strides = array<i32>} : memref<2x16384xf32, #tpu.memory_space<vmem>>, vector<16xf32>,
      %scan3A_207 = arith.constant 0 : i32
      %scan3A_208 = arith.constant 1 : i32
      %scan3A_209 = arith.addi %scan3A_182, %scan3A_208 : i32
      %mul3A_210 = arith.constant 16 : i32
      %mul3A_211 = arith.muli %scan3A_209, %mul3A_210 : i32
      %swap3A_212 = arith.constant 0 : i32
      %swap3A_213 = arith.index_cast %swap3A_212 : i32 to index
      %swap3A_214 = arith.index_cast %mul3A_211 : i32 to index
      %swap3A_215 = tpu.vector_load %arg7[%swap3A_213, %swap3A_214] {strides = array<i32>} : memref<2x16384xf32, #tpu.memory_space<vmem>>, vector<16xf32>,
      tpu.vector_store %arg7[%swap3A_213, %swap3A_214], %broadcast_in_dim3A_10 {strides = array<i32>} : memref<2x16384xf32, #tpu.memory_space<vmem>>, vector<16xf32>,
      %mul3A_216 = arith.constant 16 : i32
      %mul3A_217 = arith.muli %scan3A_209, %mul3A_216 : i32
      %swap3A_218 = arith.constant 0 : i32
      %swap3A_219 = arith.index_cast %swap3A_218 : i32 to index
      %swap3A_220 = arith.index_cast %mul3A_217 : i32 to index
      %swap3A_221 = tpu.vector_load %arg8[%swap3A_219, %swap3A_220] {strides = array<i32>} : memref<2x16384xf32, #tpu.memory_space<vmem>>, vector<16xf32>,
      tpu.vector_store %arg8[%swap3A_219, %swap3A_220], %broadcast_in_dim3A_10 {strides = array<i32>} : memref<2x16384xf32, #tpu.memory_space<vmem>>, vector<16xf32>,
      %mul3A_222 = arith.constant 16 : i32
      %mul3A_223 = arith.muli %scan3A_209, %mul3A_222 : i32
      %swap3A_224 = arith.constant 1 : i32
      %swap3A_225 = arith.index_cast %swap3A_224 : i32 to index
      %swap3A_226 = arith.index_cast %mul3A_223 : i32 to index
      %swap3A_227 = tpu.vector_load %arg7[%swap3A_225, %swap3A_226] {strides = array<i32>} : memref<2x16384xf32, #tpu.memory_space<vmem>>, vector<16xf32>,
      tpu.vector_store %arg7[%swap3A_225, %swap3A_226], %broadcast_in_dim3A_10 {strides = array<i32>} : memref<2x16384xf32, #tpu.memory_space<vmem>>, vector<16xf32>,
      %mul3A_228 = arith.constant 16 : i32
      %mul3A_229 = arith.muli %scan3A_209, %mul3A_228 : i32
      %swap3A_230 = arith.constant 1 : i32
      %swap3A_231 = arith.index_cast %swap3A_230 : i32 to index
      %swap3A_232 = arith.index_cast %mul3A_229 : i32 to index
      %swap3A_233 = tpu.vector_load %arg8[%swap3A_231, %swap3A_232] {strides = array<i32>} : memref<2x16384xf32, #tpu.memory_space<vmem>>, vector<16xf32>,
      tpu.vector_store %arg8[%swap3A_231, %swap3A_232], %broadcast_in_dim3A_10 {strides = array<i32>} : memref<2x16384xf32, #tpu.memory_space<vmem>>, vector<16xf32>,
      %scan3A_234 = arith.constant 0 : i32
      %scan3A_235 = arith.constant 2 : i32
      %scan3A_236 = arith.addi %scan3A_182, %scan3A_235 : i32
      %mul3A_237 = arith.constant 16 : i32
      %mul3A_238 = arith.muli %scan3A_236, %mul3A_237 : i32
      %swap3A_239 = arith.constant 0 : i32
      %swap3A_240 = arith.index_cast %swap3A_239 : i32 to index
      %swap3A_241 = arith.index_cast %mul3A_238 : i32 to index
      %swap3A_242 = tpu.vector_load %arg7[%swap3A_240, %swap3A_241] {strides = array<i32>} : memref<2x16384xf32, #tpu.memory_space<vmem>>, vector<16xf32>,
      tpu.vector_store %arg7[%swap3A_240, %swap3A_241], %broadcast_in_dim3A_10 {strides = array<i32>} : memref<2x16384xf32, #tpu.memory_space<vmem>>, vector<16xf32>,
      %mul3A_243 = arith.constant 16 : i32
      %mul3A_244 = arith.muli %scan3A_236, %mul3A_243 : i32
      %swap3A_245 = arith.constant 0 : i32
      %swap3A_246 = arith.index_cast %swap3A_245 : i32 to index
      %swap3A_247 = arith.index_cast %mul3A_244 : i32 to index
      %swap3A_248 = tpu.vector_load %arg8[%swap3A_246, %swap3A_247] {strides = array<i32>} : memref<2x16384xf32, #tpu.memory_space<vmem>>, vector<16xf32>,
      tpu.vector_store %arg8[%swap3A_246, %swap3A_247], %broadcast_in_dim3A_10 {strides = array<i32>} : memref<2x16384xf32, #tpu.memory_space<vmem>>, vector<16xf32>,
      %mul3A_249 = arith.constant 16 : i32
      %mul3A_250 = arith.muli %scan3A_236, %mul3A_249 : i32
      %swap3A_251 = arith.constant 1 : i32
      %swap3A_252 = arith.index_cast %swap3A_251 : i32 to index
      %swap3A_253 = arith.index_cast %mul3A_250 : i32 to index
      %swap3A_254 = tpu.vector_load %arg7[%swap3A_252, %swap3A_253] {strides = array<i32>} : memref<2x16384xf32, #tpu.memory_space<vmem>>, vector<16xf32>,
      tpu.vector_store %arg7[%swap3A_252, %swap3A_253], %broadcast_in_dim3A_10 {strides = array<i32>} : memref<2x16384xf32, #tpu.memory_space<vmem>>, vector<16xf32>,
      %mul3A_255 = arith.constant 16 : i32
      %mul3A_256 = arith.muli %scan3A_236, %mul3A_255 : i32
      %swap3A_257 = arith.constant 1 : i32
      %swap3A_258 = arith.index_cast %swap3A_257 : i32 to index
      %swap3A_259 = arith.index_cast %mul3A_256 : i32 to index
      %swap3A_260 = tpu.vector_load %arg8[%swap3A_258, %swap3A_259] {strides = array<i32>} : memref<2x16384xf32, #tpu.memory_space<vmem>>, vector<16xf32>,
      tpu.vector_store %arg8[%swap3A_258, %swap3A_259], %broadcast_in_dim3A_10 {strides = array<i32>} : memref<2x16384xf32, #tpu.memory_space<vmem>>, vector<16xf32>,
      %scan3A_261 = arith.constant 0 : i32
      %scan3A_262 = arith.constant 3 : i32
      %scan3A_263 = arith.addi %scan3A_182, %scan3A_262 : i32
      %mul3A_264 = arith.constant 16 : i32
      %mul3A_265 = arith.muli %scan3A_263, %mul3A_264 : i32
      %swap3A_266 = arith.constant 0 : i32
      %swap3A_267 = arith.index_cast %swap3A_266 : i32 to index
      %swap3A_268 = arith.index_cast %mul3A_265 : i32 to index
      %swap3A_269 = tpu.vector_load %arg7[%swap3A_267, %swap3A_268] {strides = array<i32>} : memref<2x16384xf32, #tpu.memory_space<vmem>>, vector<16xf32>,
      tpu.vector_store %arg7[%swap3A_267, %swap3A_268], %broadcast_in_dim3A_10 {strides = array<i32>} : memref<2x16384xf32, #tpu.memory_space<vmem>>, vector<16xf32>,
      %mul3A_270 = arith.constant 16 : i32
      %mul3A_271 = arith.muli %scan3A_263, %mul3A_270 : i32
      %swap3A_272 = arith.constant 0 : i32
      %swap3A_273 = arith.index_cast %swap3A_272 : i32 to index
      %swap3A_274 = arith.index_cast %mul3A_271 : i32 to index
      %swap3A_275 = tpu.vector_load %arg8[%swap3A_273, %swap3A_274] {strides = array<i32>} : memref<2x16384xf32, #tpu.memory_space<vmem>>, vector<16xf32>,
      tpu.vector_store %arg8[%swap3A_273, %swap3A_274], %broadcast_in_dim3A_10 {strides = array<i32>} : memref<2x16384xf32, #tpu.memory_space<vmem>>, vector<16xf32>,
      %mul3A_276 = arith.constant 16 : i32
      %mul3A_277 = arith.muli %scan3A_263, %mul3A_276 : i32
      %swap3A_278 = arith.constant 1 : i32
      %swap3A_279 = arith.index_cast %swap3A_278 : i32 to index
      %swap3A_280 = arith.index_cast %mul3A_277 : i32 to index
      %swap3A_281 = tpu.vector_load %arg7[%swap3A_279, %swap3A_280] {strides = array<i32>} : memref<2x16384xf32, #tpu.memory_space<vmem>>, vector<16xf32>,
      tpu.vector_store %arg7[%swap3A_279, %swap3A_280], %broadcast_in_dim3A_10 {strides = array<i32>} : memref<2x16384xf32, #tpu.memory_space<vmem>>, vector<16xf32>,
      %mul3A_282 = arith.constant 16 : i32
      %mul3A_283 = arith.muli %scan3A_263, %mul3A_282 : i32
      %swap3A_284 = arith.constant 1 : i32
      %swap3A_285 = arith.index_cast %swap3A_284 : i32 to index
      %swap3A_286 = arith.index_cast %mul3A_283 : i32 to index
      %swap3A_287 = tpu.vector_load %arg8[%swap3A_285, %swap3A_286] {strides = array<i32>} : memref<2x16384xf32, #tpu.memory_space<vmem>>, vector<16xf32>,
      tpu.vector_store %arg8[%swap3A_285, %swap3A_286], %broadcast_in_dim3A_10 {strides = array<i32>} : memref<2x16384xf32, #tpu.memory_space<vmem>>, vector<16xf32>,
      %scan3A_288 = arith.constant 0 : i32
      %scan3A_289 = arith.constant 4 : i32
      %scan3A_290 = arith.addi %scan3A_182, %scan3A_289 : i32
      %mul3A_291 = arith.constant 16 : i32
      %mul3A_292 = arith.muli %scan3A_290, %mul3A_291 : i32
      %swap3A_293 = arith.constant 0 : i32
      %swap3A_294 = arith.index_cast %swap3A_293 : i32 to index
      %swap3A_295 = arith.index_cast %mul3A_292 : i32 to index
      %swap3A_296 = tpu.vector_load %arg7[%swap3A_294, %swap3A_295] {strides = array<i32>} : memref<2x16384xf32, #tpu.memory_space<vmem>>, vector<16xf32>,
      tpu.vector_store %arg7[%swap3A_294, %swap3A_295], %broadcast_in_dim3A_10 {strides = array<i32>} : memref<2x16384xf32, #tpu.memory_space<vmem>>, vector<16xf32>,
      %mul3A_297 = arith.constant 16 : i32
      %mul3A_298 = arith.muli %scan3A_290, %mul3A_297 : i32
      %swap3A_299 = arith.constant 0 : i32
      %swap3A_300 = arith.index_cast %swap3A_299 : i32 to index
      %swap3A_301 = arith.index_cast %mul3A_298 : i32 to index
      %swap3A_302 = tpu.vector_load %arg8[%swap3A_300, %swap3A_301] {strides = array<i32>} : memref<2x16384xf32, #tpu.memory_space<vmem>>, vector<16xf32>,
      tpu.vector_store %arg8[%swap3A_300, %swap3A_301], %broadcast_in_dim3A_10 {strides = array<i32>} : memref<2x16384xf32, #tpu.memory_space<vmem>>, vector<16xf32>,
      %mul3A_303 = arith.constant 16 : i32
      %mul3A_304 = arith.muli %scan3A_290, %mul3A_303 : i32
      %swap3A_305 = arith.constant 1 : i32
      %swap3A_306 = arith.index_cast %swap3A_305 : i32 to index
      %swap3A_307 = arith.index_cast %mul3A_304 : i32 to index
      %swap3A_308 = tpu.vector_load %arg7[%swap3A_306, %swap3A_307] {strides = array<i32>} : memref<2x16384xf32, #tpu.memory_space<vmem>>, vector<16xf32>,
      tpu.vector_store %arg7[%swap3A_306, %swap3A_307], %broadcast_in_dim3A_10 {strides = array<i32>} : memref<2x16384xf32, #tpu.memory_space<vmem>>, vector<16xf32>,
      %mul3A_309 = arith.constant 16 : i32
      %mul3A_310 = arith.muli %scan3A_290, %mul3A_309 : i32
      %swap3A_311 = arith.constant 1 : i32
      %swap3A_312 = arith.index_cast %swap3A_311 : i32 to index
      %swap3A_313 = arith.index_cast %mul3A_310 : i32 to index
      %swap3A_314 = tpu.vector_load %arg8[%swap3A_312, %swap3A_313] {strides = array<i32>} : memref<2x16384xf32, #tpu.memory_space<vmem>>, vector<16xf32>,
      tpu.vector_store %arg8[%swap3A_312, %swap3A_313], %broadcast_in_dim3A_10 {strides = array<i32>} : memref<2x16384xf32, #tpu.memory_space<vmem>>, vector<16xf32>,
      %scan3A_315 = arith.constant 0 : i32
      %scan3A_316 = arith.constant 5 : i32
      %scan3A_317 = arith.addi %scan3A_182, %scan3A_316 : i32
      %mul3A_318 = arith.constant 16 : i32
      %mul3A_319 = arith.muli %scan3A_317, %mul3A_318 : i32
      %swap3A_320 = arith.constant 0 : i32
      %swap3A_321 = arith.index_cast %swap3A_320 : i32 to index
      %swap3A_322 = arith.index_cast %mul3A_319 : i32 to index
      %swap3A_323 = tpu.vector_load %arg7[%swap3A_321, %swap3A_322] {strides = array<i32>} : memref<2x16384xf32, #tpu.memory_space<vmem>>, vector<16xf32>,
      tpu.vector_store %arg7[%swap3A_321, %swap3A_322], %broadcast_in_dim3A_10 {strides = array<i32>} : memref<2x16384xf32, #tpu.memory_space<vmem>>, vector<16xf32>,
      %mul3A_324 = arith.constant 16 : i32
      %mul3A_325 = arith.muli %scan3A_317, %mul3A_324 : i32
      %swap3A_326 = arith.constant 0 : i32
      %swap3A_327 = arith.index_cast %swap3A_326 : i32 to index
      %swap3A_328 = arith.index_cast %mul3A_325 : i32 to index
      %swap3A_329 = tpu.vector_load %arg8[%swap3A_327, %swap3A_328] {strides = array<i32>} : memref<2x16384xf32, #tpu.memory_space<vmem>>, vector<16xf32>,
      tpu.vector_store %arg8[%swap3A_327, %swap3A_328], %broadcast_in_dim3A_10 {strides = array<i32>} : memref<2x16384xf32, #tpu.memory_space<vmem>>, vector<16xf32>,
      %mul3A_330 = arith.constant 16 : i32
      %mul3A_331 = arith.muli %scan3A_317, %mul3A_330 : i32
      %swap3A_332 = arith.constant 1 : i32
      %swap3A_333 = arith.index_cast %swap3A_332 : i32 to index
      %swap3A_334 = arith.index_cast %mul3A_331 : i32 to index
      %swap3A_335 = tpu.vector_load %arg7[%swap3A_333, %swap3A_334] {strides = array<i32>} : memref<2x16384xf32, #tpu.memory_space<vmem>>, vector<16xf32>,
      tpu.vector_store %arg7[%swap3A_333, %swap3A_334], %broadcast_in_dim3A_10 {strides = array<i32>} : memref<2x16384xf32, #tpu.memory_space<vmem>>, vector<16xf32>,
      %mul3A_336 = arith.constant 16 : i32
      %mul3A_337 = arith.muli %scan3A_317, %mul3A_336 : i32
      %swap3A_338 = arith.constant 1 : i32
      %swap3A_339 = arith.index_cast %swap3A_338 : i32 to index
      %swap3A_340 = arith.index_cast %mul3A_337 : i32 to index
      %swap3A_341 = tpu.vector_load %arg8[%swap3A_339, %swap3A_340] {strides = array<i32>} : memref<2x16384xf32, #tpu.memory_space<vmem>>, vector<16xf32>,
      tpu.vector_store %arg8[%swap3A_339, %swap3A_340], %broadcast_in_dim3A_10 {strides = array<i32>} : memref<2x16384xf32, #tpu.memory_space<vmem>>, vector<16xf32>,
      %scan3A_342 = arith.constant 0 : i32
      %scan3A_343 = arith.constant 6 : i32
      %scan3A_344 = arith.addi %scan3A_182, %scan3A_343 : i32
      %mul3A_345 = arith.constant 16 : i32
      %mul3A_346 = arith.muli %scan3A_344, %mul3A_345 : i32
      %swap3A_347 = arith.constant 0 : i32
      %swap3A_348 = arith.index_cast %swap3A_347 : i32 to index
      %swap3A_349 = arith.index_cast %mul3A_346 : i32 to index
      %swap3A_350 = tpu.vector_load %arg7[%swap3A_348, %swap3A_349] {strides = array<i32>} : memref<2x16384xf32, #tpu.memory_space<vmem>>, vector<16xf32>,
      tpu.vector_store %arg7[%swap3A_348, %swap3A_349], %broadcast_in_dim3A_10 {strides = array<i32>} : memref<2x16384xf32, #tpu.memory_space<vmem>>, vector<16xf32>,
      %mul3A_351 = arith.constant 16 : i32
      %mul3A_352 = arith.muli %scan3A_344, %mul3A_351 : i32
      %swap3A_353 = arith.constant 0 : i32
      %swap3A_354 = arith.index_cast %swap3A_353 : i32 to index
      %swap3A_355 = arith.index_cast %mul3A_352 : i32 to index
      %swap3A_356 = tpu.vector_load %arg8[%swap3A_354, %swap3A_355] {strides = array<i32>} : memref<2x16384xf32, #tpu.memory_space<vmem>>, vector<16xf32>,
      tpu.vector_store %arg8[%swap3A_354, %swap3A_355], %broadcast_in_dim3A_10 {strides = array<i32>} : memref<2x16384xf32, #tpu.memory_space<vmem>>, vector<16xf32>,
      %mul3A_357 = arith.constant 16 : i32
      %mul3A_358 = arith.muli %scan3A_344, %mul3A_357 : i32
      %swap3A_359 = arith.constant 1 : i32
      %swap3A_360 = arith.index_cast %swap3A_359 : i32 to index
      %swap3A_361 = arith.index_cast %mul3A_358 : i32 to index
      %swap3A_362 = tpu.vector_load %arg7[%swap3A_360, %swap3A_361] {strides = array<i32>} : memref<2x16384xf32, #tpu.memory_space<vmem>>, vector<16xf32>,
      tpu.vector_store %arg7[%swap3A_360, %swap3A_361], %broadcast_in_dim3A_10 {strides = array<i32>} : memref<2x16384xf32, #tpu.memory_space<vmem>>, vector<16xf32>,
      %mul3A_363 = arith.constant 16 : i32
      %mul3A_364 = arith.muli %scan3A_344, %mul3A_363 : i32
      %swap3A_365 = arith.constant 1 : i32
      %swap3A_366 = arith.index_cast %swap3A_365 : i32 to index
      %swap3A_367 = arith.index_cast %mul3A_364 : i32 to index
      %swap3A_368 = tpu.vector_load %arg8[%swap3A_366, %swap3A_367] {strides = array<i32>} : memref<2x16384xf32, #tpu.memory_space<vmem>>, vector<16xf32>,
      tpu.vector_store %arg8[%swap3A_366, %swap3A_367], %broadcast_in_dim3A_10 {strides = array<i32>} : memref<2x16384xf32, #tpu.memory_space<vmem>>, vector<16xf32>,
      %scan3A_369 = arith.constant 0 : i32
      %scan3A_370 = arith.constant 7 : i32
      %scan3A_371 = arith.addi %scan3A_182, %scan3A_370 : i32
      %mul3A_372 = arith.constant 16 : i32
      %mul3A_373 = arith.muli %scan3A_371, %mul3A_372 : i32
      %swap3A_374 = arith.constant 0 : i32
      %swap3A_375 = arith.index_cast %swap3A_374 : i32 to index
      %swap3A_376 = arith.index_cast %mul3A_373 : i32 to index
      %swap3A_377 = tpu.vector_load %arg7[%swap3A_375, %swap3A_376] {strides = array<i32>} : memref<2x16384xf32, #tpu.memory_space<vmem>>, vector<16xf32>,
      tpu.vector_store %arg7[%swap3A_375, %swap3A_376], %broadcast_in_dim3A_10 {strides = array<i32>} : memref<2x16384xf32, #tpu.memory_space<vmem>>, vector<16xf32>,
      %mul3A_378 = arith.constant 16 : i32
      %mul3A_379 = arith.muli %scan3A_371, %mul3A_378 : i32
      %swap3A_380 = arith.constant 0 : i32
      %swap3A_381 = arith.index_cast %swap3A_380 : i32 to index
      %swap3A_382 = arith.index_cast %mul3A_379 : i32 to index
      %swap3A_383 = tpu.vector_load %arg8[%swap3A_381, %swap3A_382] {strides = array<i32>} : memref<2x16384xf32, #tpu.memory_space<vmem>>, vector<16xf32>,
      tpu.vector_store %arg8[%swap3A_381, %swap3A_382], %broadcast_in_dim3A_10 {strides = array<i32>} : memref<2x16384xf32, #tpu.memory_space<vmem>>, vector<16xf32>,
      %mul3A_384 = arith.constant 16 : i32
      %mul3A_385 = arith.muli %scan3A_371, %mul3A_384 : i32
      %swap3A_386 = arith.constant 1 : i32
      %swap3A_387 = arith.index_cast %swap3A_386 : i32 to index
      %swap3A_388 = arith.index_cast %mul3A_385 : i32 to index
      %swap3A_389 = tpu.vector_load %arg7[%swap3A_387, %swap3A_388] {strides = array<i32>} : memref<2x16384xf32, #tpu.memory_space<vmem>>, vector<16xf32>,
      tpu.vector_store %arg7[%swap3A_387, %swap3A_388], %broadcast_in_dim3A_10 {strides = array<i32>} : memref<2x16384xf32, #tpu.memory_space<vmem>>, vector<16xf32>,
      %mul3A_390 = arith.constant 16 : i32
      %mul3A_391 = arith.muli %scan3A_371, %mul3A_390 : i32
      %swap3A_392 = arith.constant 1 : i32
      %swap3A_393 = arith.index_cast %swap3A_392 : i32 to index
      %swap3A_394 = arith.index_cast %mul3A_391 : i32 to index
      %swap3A_395 = tpu.vector_load %arg8[%swap3A_393, %swap3A_394] {strides = array<i32>} : memref<2x16384xf32, #tpu.memory_space<vmem>>, vector<16xf32>,
      tpu.vector_store %arg8[%swap3A_393, %swap3A_394], %broadcast_in_dim3A_10 {strides = array<i32>} : memref<2x16384xf32, #tpu.memory_space<vmem>>, vector<16xf32>,
      %scan3A_396 = arith.constant 0 : i32
      scf.yield %scan3A_396 : i32
    }
    %scan3A_20 = arith.constant 1024 : i32
    %dma_wait3A = arith.constant 0 : i32
    %dma_wait3A_21 = tpu.memref_slice %arg2[%mul3A_2, %dma_wait3A] : memref<4096x64xi32, #tpu.memory_space<hbm>> -> memref<128x64xi32, #tpu.memory_space<hbm>>
    %dma_wait3A_22 = arith.constant 0 : i32
    %dma_wait3A_23 = tpu.memref_slice %arg2[%mul3A_2, %dma_wait3A_22] : memref<4096x64xi32, #tpu.memory_space<hbm>> -> memref<128x64xi32, #tpu.memory_space<hbm>>
    tpu.wait_dma2 semaphore(%arg9 : memref<!tpu.dma_semaphore, #tpu.memory_space<semaphore_mem>>) src(%dma_wait3A_23 : memref<128x64xi32, #tpu.memory_space<hbm>>) dst(%arg5 : memref<128x64xi32, #tpu.memory_space<vmem>>)
    %dma_wait3A_24 = arith.constant 0 : i32
    %dma_wait3A_25 = tpu.memref_slice %arg3[%mul3A_2, %dma_wait3A_24] : memref<4096x64xf32, #tpu.memory_space<hbm>> -> memref<128x64xf32, #tpu.memory_space<hbm>>
    %dma_wait3A_26 = arith.constant 0 : i32
    %dma_wait3A_27 = tpu.memref_slice %arg3[%mul3A_2, %dma_wait3A_26] : memref<4096x64xf32, #tpu.memory_space<hbm>> -> memref<128x64xf32, #tpu.memory_space<hbm>>
    tpu.wait_dma2 semaphore(%arg10 : memref<!tpu.dma_semaphore, #tpu.memory_space<semaphore_mem>>) src(%dma_wait3A_27 : memref<128x64xf32, #tpu.memory_space<hbm>>) dst(%arg6 : memref<128x64xf32, #tpu.memory_space<vmem>>)
    %get3A = arith.constant 0 : i32
    %get3A_28 = arith.index_cast %get3A : i32 to index
    %get3A_29 = arith.constant 0 : index
    %get3A_30 = tpu.vector_load %arg5[%get3A_28, %get3A_29] {strides = array<i32>} : memref<128x64xi32, #tpu.memory_space<vmem>>, vector<16xi32>,
    %get3A_31 = arith.constant 0 : i32
    %get3A_32 = arith.index_cast %get3A_31 : i32 to index
    %get3A_33 = arith.constant 0 : index
    %get3A_34 = tpu.vector_load %arg6[%get3A_32, %get3A_33] {strides = array<i32>} : memref<128x64xf32, #tpu.memory_space<vmem>>, vector<16xf32>,
    tpu.vector_store_idx %arg7[%broadcast_in_dim3A_12, %get3A_30], %get3A_34 {add = true} : memref<2x16384xf32, #tpu.memory_space<vmem>>[vector<16xi32>, vector<16xi32>], vector<16xf32>,
    %get3A_35 = arith.constant 0 : i32
    %get3A_36 = arith.index_cast %get3A_35 : i32 to index
    %get3A_37 = arith.constant 16 : index
    %get3A_38 = tpu.vector_load %arg5[%get3A_36, %get3A_37] {strides = array<i32>} : memref<128x64xi32, #tpu.memory_space<vmem>>, vector<16xi32>,
    %get3A_39 = arith.constant 0 : i32
    %get3A_40 = arith.index_cast %get3A_39 : i32 to index
    %get3A_41 = arith.constant 16 : index
    %get3A_42 = tpu.vector_load %arg6[%get3A_40, %get3A_41] {strides = array<i32>} : memref<128x64xf32, #tpu.memory_space<vmem>>, vector<16xf32>,
    tpu.vector_store_idx %arg7[%broadcast_in_dim3A_12, %get3A_38], %get3A_42 {add = true} : memref<2x16384xf32, #tpu.memory_space<vmem>>[vector<16xi32>, vector<16xi32>], vector<16xf32>,
    %get3A_43 = arith.constant 0 : i32
    %get3A_44 = arith.index_cast %get3A_43 : i32 to index
    %get3A_45 = arith.constant 32 : index
    %get3A_46 = tpu.vector_load %arg5[%get3A_44, %get3A_45] {strides = array<i32>} : memref<128x64xi32, #tpu.memory_space<vmem>>, vector<16xi32>,
    %get3A_47 = arith.constant 0 : i32
    %get3A_48 = arith.index_cast %get3A_47 : i32 to index
    %get3A_49 = arith.constant 32 : index
    %get3A_50 = tpu.vector_load %arg6[%get3A_48, %get3A_49] {strides = array<i32>} : memref<128x64xf32, #tpu.memory_space<vmem>>, vector<16xf32>,
    tpu.vector_store_idx %arg7[%broadcast_in_dim3A_12, %get3A_46], %get3A_50 {add = true} : memref<2x16384xf32, #tpu.memory_space<vmem>>[vector<16xi32>, vector<16xi32>], vector<16xf32>,
    %get3A_51 = arith.constant 0 : i32
    %get3A_52 = arith.index_cast %get3A_51 : i32 to index
    %get3A_53 = arith.constant 48 : index
    %get3A_54 = tpu.vector_load %arg5[%get3A_52, %get3A_53] {strides = array<i32>} : memref<128x64xi32, #tpu.memory_space<vmem>>, vector<16xi32>,
    %get3A_55 = arith.constant 0 : i32
    %get3A_56 = arith.index_cast %get3A_55 : i32 to index
    %get3A_57 = arith.constant 48 : index
    %get3A_58 = tpu.vector_load %arg6[%get3A_56, %get3A_57] {strides = array<i32>} : memref<128x64xf32, #tpu.memory_space<vmem>>, vector<16xf32>,
    tpu.vector_store_idx %arg7[%broadcast_in_dim3A_12, %get3A_54], %get3A_58 {add = true} : memref<2x16384xf32, #tpu.memory_space<vmem>>[vector<16xi32>, vector<16xi32>], vector<16xf32>,
    %get3A_59 = arith.constant 1 : i32
    %get3A_60 = arith.index_cast %get3A_59 : i32 to index
    %get3A_61 = arith.constant 0 : index
    %get3A_62 = tpu.vector_load %arg5[%get3A_60, %get3A_61] {strides = array<i32>} : memref<128x64xi32, #tpu.memory_space<vmem>>, vector<16xi32>,
    %get3A_63 = arith.constant 1 : i32
    %get3A_64 = arith.index_cast %get3A_63 : i32 to index
    %get3A_65 = arith.constant 0 : index
    %get3A_66 = tpu.vector_load %arg6[%get3A_64, %get3A_65] {strides = array<i32>} : memref<128x64xf32, #tpu.memory_space<vmem>>, vector<16xf32>,
    tpu.vector_store_idx %arg7[%broadcast_in_dim3A_14, %get3A_62], %get3A_66 {add = true} : memref<2x16384xf32, #tpu.memory_space<vmem>>[vector<16xi32>, vector<16xi32>], vector<16xf32>,
    %get3A_67 = arith.constant 1 : i32
    %get3A_68 = arith.index_cast %get3A_67 : i32 to index
    %get3A_69 = arith.constant 16 : index
    %get3A_70 = tpu.vector_load %arg5[%get3A_68, %get3A_69] {strides = array<i32>} : memref<128x64xi32, #tpu.memory_space<vmem>>, vector<16xi32>,
    %get3A_71 = arith.constant 1 : i32
    %get3A_72 = arith.index_cast %get3A_71 : i32 to index
    %get3A_73 = arith.constant 16 : index
    %get3A_74 = tpu.vector_load %arg6[%get3A_72, %get3A_73] {strides = array<i32>} : memref<128x64xf32, #tpu.memory_space<vmem>>, vector<16xf32>,
    tpu.vector_store_idx %arg7[%broadcast_in_dim3A_14, %get3A_70], %get3A_74 {add = true} : memref<2x16384xf32, #tpu.memory_space<vmem>>[vector<16xi32>, vector<16xi32>], vector<16xf32>,
    %get3A_75 = arith.constant 1 : i32
    %get3A_76 = arith.index_cast %get3A_75 : i32 to index
    %get3A_77 = arith.constant 32 : index
    %get3A_78 = tpu.vector_load %arg5[%get3A_76, %get3A_77] {strides = array<i32>} : memref<128x64xi32, #tpu.memory_space<vmem>>, vector<16xi32>,
    %get3A_79 = arith.constant 1 : i32
    %get3A_80 = arith.index_cast %get3A_79 : i32 to index
    %get3A_81 = arith.constant 32 : index
    %get3A_82 = tpu.vector_load %arg6[%get3A_80, %get3A_81] {strides = array<i32>} : memref<128x64xf32, #tpu.memory_space<vmem>>, vector<16xf32>,
    tpu.vector_store_idx %arg7[%broadcast_in_dim3A_14, %get3A_78], %get3A_82 {add = true} : memref<2x16384xf32, #tpu.memory_space<vmem>>[vector<16xi32>, vector<16xi32>], vector<16xf32>,
    %get3A_83 = arith.constant 1 : i32
    %get3A_84 = arith.index_cast %get3A_83 : i32 to index
    %get3A_85 = arith.constant 48 : index
    %get3A_86 = tpu.vector_load %arg5[%get3A_84, %get3A_85] {strides = array<i32>} : memref<128x64xi32, #tpu.memory_space<vmem>>, vector<16xi32>,
    %get3A_87 = arith.constant 1 : i32
    %get3A_88 = arith.index_cast %get3A_87 : i32 to index
    %get3A_89 = arith.constant 48 : index
    %get3A_90 = tpu.vector_load %arg6[%get3A_88, %get3A_89] {strides = array<i32>} : memref<128x64xf32, #tpu.memory_space<vmem>>, vector<16xf32>,
    tpu.vector_store_idx %arg7[%broadcast_in_dim3A_14, %get3A_86], %get3A_90 {add = true} : memref<2x16384xf32, #tpu.memory_space<vmem>>[vector<16xi32>, vector<16xi32>], vector<16xf32>,
    %add3A_91 = arith.constant 0 : i32
    %add3A_92 = arith.addi %mul3A_2, %add3A_91 : i32
    %dma_start3A_93 = arith.constant 0 : i32
    %dma_start3A_94 = tpu.memref_slice %arg4[%add3A_92, %dma_start3A_93] : memref<4096x16384xf32, #tpu.memory_space<hbm>> -> memref<2x16384xf32, #tpu.memory_space<hbm>>
    %dma_start3A_95 = arith.constant 0 : i32
    %dma_start3A_96 = tpu.memref_slice %arg4[%add3A_92, %dma_start3A_95] : memref<4096x16384xf32, #tpu.memory_space<hbm>> -> memref<2x16384xf32, #tpu.memory_space<hbm>>
    tpu.enqueue_dma source(%arg7 : memref<2x16384xf32, #tpu.memory_space<vmem>>) target(%dma_start3A_96 : memref<2x16384xf32, #tpu.memory_space<hbm>>) target_semaphore(%arg9 : memref<!tpu.dma_semaphore, #tpu.memory_space<semaphore_mem>>)
    %get3A_97 = arith.constant 2 : i32
    %get3A_98 = arith.index_cast %get3A_97 : i32 to index
    %get3A_99 = arith.constant 0 : index
    %get3A_100 = tpu.vector_load %arg5[%get3A_98, %get3A_99] {strides = array<i32>} : memref<128x64xi32, #tpu.memory_space<vmem>>, vector<16xi32>,
    %get3A_101 = arith.constant 2 : i32
    %get3A_102 = arith.index_cast %get3A_101 : i32 to index
    %get3A_103 = arith.constant 0 : index
    %get3A_104 = tpu.vector_load %arg6[%get3A_102, %get3A_103] {strides = array<i32>} : memref<128x64xf32, #tpu.memory_space<vmem>>, vector<16xf32>,
    tpu.vector_store_idx %arg8[%broadcast_in_dim3A_12, %get3A_100], %get3A_104 {add = true} : memref<2x16384xf32, #tpu.memory_space<vmem>>[vector<16xi32>, vector<16xi32>], vector<16xf32>,
    %get3A_105 = arith.constant 2 : i32
    %get3A_106 = arith.index_cast %get3A_105 : i32 to index
    %get3A_107 = arith.constant 16 : index
    %get3A_108 = tpu.vector_load %arg5[%get3A_106, %get3A_107] {strides = array<i32>} : memref<128x64xi32, #tpu.memory_space<vmem>>, vector<16xi32>,
    %get3A_109 = arith.constant 2 : i32
    %get3A_110 = arith.index_cast %get3A_109 : i32 to index
    %get3A_111 = arith.constant 16 : index
    %get3A_112 = tpu.vector_load %arg6[%get3A_110, %get3A_111] {strides = array<i32>} : memref<128x64xf32, #tpu.memory_space<vmem>>, vector<16xf32>,
    tpu.vector_store_idx %arg8[%broadcast_in_dim3A_12, %get3A_108], %get3A_112 {add = true} : memref<2x16384xf32, #tpu.memory_space<vmem>>[vector<16xi32>, vector<16xi32>], vector<16xf32>,
    %get3A_113 = arith.constant 2 : i32
    %get3A_114 = arith.index_cast %get3A_113 : i32 to index
    %get3A_115 = arith.constant 32 : index
    %get3A_116 = tpu.vector_load %arg5[%get3A_114, %get3A_115] {strides = array<i32>} : memref<128x64xi32, #tpu.memory_space<vmem>>, vector<16xi32>,
    %get3A_117 = arith.constant 2 : i32
    %get3A_118 = arith.index_cast %get3A_117 : i32 to index
    %get3A_119 = arith.constant 32 : index
    %get3A_120 = tpu.vector_load %arg6[%get3A_118, %get3A_119] {strides = array<i32>} : memref<128x64xf32, #tpu.memory_space<vmem>>, vector<16xf32>,
    tpu.vector_store_idx %arg8[%broadcast_in_dim3A_12, %get3A_116], %get3A_120 {add = true} : memref<2x16384xf32, #tpu.memory_space<vmem>>[vector<16xi32>, vector<16xi32>], vector<16xf32>,
    %get3A_121 = arith.constant 2 : i32
    %get3A_122 = arith.index_cast %get3A_121 : i32 to index
    %get3A_123 = arith.constant 48 : index
    %get3A_124 = tpu.vector_load %arg5[%get3A_122, %get3A_123] {strides = array<i32>} : memref<128x64xi32, #tpu.memory_space<vmem>>, vector<16xi32>,
    %get3A_125 = arith.constant 2 : i32
    %get3A_126 = arith.index_cast %get3A_125 : i32 to index
    %get3A_127 = arith.constant 48 : index
    %get3A_128 = tpu.vector_load %arg6[%get3A_126, %get3A_127] {strides = array<i32>} : memref<128x64xf32, #tpu.memory_space<vmem>>, vector<16xf32>,
    tpu.vector_store_idx %arg8[%broadcast_in_dim3A_12, %get3A_124], %get3A_128 {add = true} : memref<2x16384xf32, #tpu.memory_space<vmem>>[vector<16xi32>, vector<16xi32>], vector<16xf32>,
    %get3A_129 = arith.constant 3 : i32
    %get3A_130 = arith.index_cast %get3A_129 : i32 to index
    %get3A_131 = arith.constant 0 : index
    %get3A_132 = tpu.vector_load %arg5[%get3A_130, %get3A_131] {strides = array<i32>} : memref<128x64xi32, #tpu.memory_space<vmem>>, vector<16xi32>,
    %get3A_133 = arith.constant 3 : i32
    %get3A_134 = arith.index_cast %get3A_133 : i32 to index
    %get3A_135 = arith.constant 0 : index
    %get3A_136 = tpu.vector_load %arg6[%get3A_134, %get3A_135] {strides = array<i32>} : memref<128x64xf32, #tpu.memory_space<vmem>>, vector<16xf32>,
    tpu.vector_store_idx %arg8[%broadcast_in_dim3A_14, %get3A_132], %get3A_136 {add = true} : memref<2x16384xf32, #tpu.memory_space<vmem>>[vector<16xi32>, vector<16xi32>], vector<16xf32>,
    %get3A_137 = arith.constant 3 : i32
    %get3A_138 = arith.index_cast %get3A_137 : i32 to index
    %get3A_139 = arith.constant 16 : index
    %get3A_140 = tpu.vector_load %arg5[%get3A_138, %get3A_139] {strides = array<i32>} : memref<128x64xi32, #tpu.memory_space<vmem>>, vector<16xi32>,
    %get3A_141 = arith.constant 3 : i32
    %get3A_142 = arith.index_cast %get3A_141 : i32 to index
    %get3A_143 = arith.constant 16 : index
    %get3A_144 = tpu.vector_load %arg6[%get3A_142, %get3A_143] {strides = array<i32>} : memref<128x64xf32, #tpu.memory_space<vmem>>, vector<16xf32>,
    tpu.vector_store_idx %arg8[%broadcast_in_dim3A_14, %get3A_140], %get3A_144 {add = true} : memref<2x16384xf32, #tpu.memory_space<vmem>>[vector<16xi32>, vector<16xi32>], vector<16xf32>,
    %get3A_145 = arith.constant 3 : i32
    %get3A_146 = arith.index_cast %get3A_145 : i32 to index
    %get3A_147 = arith.constant 32 : index
    %get3A_148 = tpu.vector_load %arg5[%get3A_146, %get3A_147] {strides = array<i32>} : memref<128x64xi32, #tpu.memory_space<vmem>>, vector<16xi32>,
    %get3A_149 = arith.constant 3 : i32
    %get3A_150 = arith.index_cast %get3A_149 : i32 to index
    %get3A_151 = arith.constant 32 : index
    %get3A_152 = tpu.vector_load %arg6[%get3A_150, %get3A_151] {strides = array<i32>} : memref<128x64xf32, #tpu.memory_space<vmem>>, vector<16xf32>,
    tpu.vector_store_idx %arg8[%broadcast_in_dim3A_14, %get3A_148], %get3A_152 {add = true} : memref<2x16384xf32, #tpu.memory_space<vmem>>[vector<16xi32>, vector<16xi32>], vector<16xf32>,
    %get3A_153 = arith.constant 3 : i32
    %get3A_154 = arith.index_cast %get3A_153 : i32 to index
    %get3A_155 = arith.constant 48 : index
    %get3A_156 = tpu.vector_load %arg5[%get3A_154, %get3A_155] {strides = array<i32>} : memref<128x64xi32, #tpu.memory_space<vmem>>, vector<16xi32>,
    %get3A_157 = arith.constant 3 : i32
    %get3A_158 = arith.index_cast %get3A_157 : i32 to index
    %get3A_159 = arith.constant 48 : index
    %get3A_160 = tpu.vector_load %arg6[%get3A_158, %get3A_159] {strides = array<i32>} : memref<128x64xf32, #tpu.memory_space<vmem>>, vector<16xf32>,
    tpu.vector_store_idx %arg8[%broadcast_in_dim3A_14, %get3A_156], %get3A_160 {add = true} : memref<2x16384xf32, #tpu.memory_space<vmem>>[vector<16xi32>, vector<16xi32>], vector<16xf32>,
    %add3A_161 = arith.constant 2 : i32
    %add3A_162 = arith.addi %mul3A_2, %add3A_161 : i32
    %dma_start3A_163 = arith.constant 0 : i32
    %dma_start3A_164 = tpu.memref_slice %arg4[%add3A_162, %dma_start3A_163] : memref<4096x16384xf32, #tpu.memory_space<hbm>> -> memref<2x16384xf32, #tpu.memory_space<hbm>>
    %dma_start3A_165 = arith.constant 0 : i32
    %dma_start3A_166 = tpu.memref_slice %arg4[%add3A_162, %dma_start3A_165] : memref<4096x16384xf32, #tpu.memory_space<hbm>> -> memref<2x16384xf32, #tpu.memory_space<hbm>>
    tpu.enqueue_dma source(%arg8 : memref<2x16384xf32, #tpu.memory_space<vmem>>) target(%dma_start3A_166 : memref<2x16384xf32, #tpu.memory_space<hbm>>) target_semaphore(%arg10 : memref<!tpu.dma_semaphore, #tpu.memory_space<semaphore_mem>>)
    %scan3A_167 = arith.constant 0 : i32
    %scan3A_168 = arith.constant 1 : i32
    %scan3A_169 = arith.constant 31 : i32
    %scan3A_170 = arith.addi %scan3A_168, %scan3A_169 : i32
    %scan3A_171 = arith.constant 1 : i32
    %scan3A_172 = scf.for %scan3A_182 = %scan3A_168 to %scan3A_170 step %scan3A_171 iter_args(%scan3A_183 = %scan3A_167) -> (i32)  : i32 {
      %mul3A_184 = arith.constant 2 : i32
      %mul3A_185 = arith.muli %mul3A_184, %scan3A_182 : i32
      %add3A_186 = arith.constant 0 : i32
      %add3A_187 = arith.addi %mul3A_185, %add3A_186 : i32
      %dma_wait3A_188 = arith.constant 0 : i32
      %dma_wait3A_189 = tpu.memref_slice %arg4[%mul3A_2, %dma_wait3A_188] : memref<4096x16384xf32, #tpu.memory_space<hbm>> -> memref<2x16384xf32, #tpu.memory_space<hbm>>
      %dma_wait3A_190 = arith.constant 0 : i32
      %dma_wait3A_191 = tpu.memref_slice %arg4[%mul3A_2, %dma_wait3A_190] : memref<4096x16384xf32, #tpu.memory_space<hbm>> -> memref<2x16384xf32, #tpu.memory_space<hbm>>
      tpu.wait_dma2 semaphore(%arg9 : memref<!tpu.dma_semaphore, #tpu.memory_space<semaphore_mem>>) src(%arg7 : memref<2x16384xf32, #tpu.memory_space<vmem>>) dst(%dma_wait3A_191 : memref<2x16384xf32, #tpu.memory_space<hbm>>)
      %sub3A = arith.constant 2 : i32
      %sub3A_192 = arith.subi %add3A_187, %sub3A : i32
      %mul3A_193 = arith.constant 2 : i32
      %mul3A_194 = arith.muli %mul3A_193, %sub3A_192 : i32
      %add3A_195 = arith.constant 0 : i32
      %add3A_196 = arith.addi %mul3A_194, %add3A_195 : i32
      %get3A_197 = arith.index_cast %add3A_196 : i32 to index
      %get3A_198 = arith.constant 0 : index
      %get3A_199 = tpu.vector_load %arg5[%get3A_197, %get3A_198] {strides = array<i32>} : memref<128x64xi32, #tpu.memory_space<vmem>>, vector<16xi32>,
      tpu.vector_store_idx %arg7[%broadcast_in_dim3A_12, %get3A_199], %broadcast_in_dim3A_10 : memref<2x16384xf32, #tpu.memory_space<vmem>>[vector<16xi32>, vector<16xi32>], vector<16xf32>,
      %get3A_200 = arith.index_cast %add3A_196 : i32 to index
      %get3A_201 = arith.constant 16 : index
      %get3A_202 = tpu.vector_load %arg5[%get3A_200, %get3A_201] {strides = array<i32>} : memref<128x64xi32, #tpu.memory_space<vmem>>, vector<16xi32>,
      tpu.vector_store_idx %arg7[%broadcast_in_dim3A_12, %get3A_202], %broadcast_in_dim3A_10 : memref<2x16384xf32, #tpu.memory_space<vmem>>[vector<16xi32>, vector<16xi32>], vector<16xf32>,
      %get3A_203 = arith.index_cast %add3A_196 : i32 to index
      %get3A_204 = arith.constant 32 : index
      %get3A_205 = tpu.vector_load %arg5[%get3A_203, %get3A_204] {strides = array<i32>} : memref<128x64xi32, #tpu.memory_space<vmem>>, vector<16xi32>,
      tpu.vector_store_idx %arg7[%broadcast_in_dim3A_12, %get3A_205], %broadcast_in_dim3A_10 : memref<2x16384xf32, #tpu.memory_space<vmem>>[vector<16xi32>, vector<16xi32>], vector<16xf32>,
      %get3A_206 = arith.index_cast %add3A_196 : i32 to index
      %get3A_207 = arith.constant 48 : index
      %get3A_208 = tpu.vector_load %arg5[%get3A_206, %get3A_207] {strides = array<i32>} : memref<128x64xi32, #tpu.memory_space<vmem>>, vector<16xi32>,
      tpu.vector_store_idx %arg7[%broadcast_in_dim3A_12, %get3A_208], %broadcast_in_dim3A_10 : memref<2x16384xf32, #tpu.memory_space<vmem>>[vector<16xi32>, vector<16xi32>], vector<16xf32>,
      %mul3A_209 = arith.constant 2 : i32
      %mul3A_210 = arith.muli %mul3A_209, %sub3A_192 : i32
      %add3A_211 = arith.constant 1 : i32
      %add3A_212 = arith.addi %mul3A_210, %add3A_211 : i32
      %get3A_213 = arith.index_cast %add3A_212 : i32 to index
      %get3A_214 = arith.constant 0 : index
      %get3A_215 = tpu.vector_load %arg5[%get3A_213, %get3A_214] {strides = array<i32>} : memref<128x64xi32, #tpu.memory_space<vmem>>, vector<16xi32>,
      tpu.vector_store_idx %arg7[%broadcast_in_dim3A_14, %get3A_215], %broadcast_in_dim3A_10 : memref<2x16384xf32, #tpu.memory_space<vmem>>[vector<16xi32>, vector<16xi32>], vector<16xf32>,
      %get3A_216 = arith.index_cast %add3A_212 : i32 to index
      %get3A_217 = arith.constant 16 : index
      %get3A_218 = tpu.vector_load %arg5[%get3A_216, %get3A_217] {strides = array<i32>} : memref<128x64xi32, #tpu.memory_space<vmem>>, vector<16xi32>,
      tpu.vector_store_idx %arg7[%broadcast_in_dim3A_14, %get3A_218], %broadcast_in_dim3A_10 : memref<2x16384xf32, #tpu.memory_space<vmem>>[vector<16xi32>, vector<16xi32>], vector<16xf32>,
      %get3A_219 = arith.index_cast %add3A_212 : i32 to index
      %get3A_220 = arith.constant 32 : index
      %get3A_221 = tpu.vector_load %arg5[%get3A_219, %get3A_220] {strides = array<i32>} : memref<128x64xi32, #tpu.memory_space<vmem>>, vector<16xi32>,
      tpu.vector_store_idx %arg7[%broadcast_in_dim3A_14, %get3A_221], %broadcast_in_dim3A_10 : memref<2x16384xf32, #tpu.memory_space<vmem>>[vector<16xi32>, vector<16xi32>], vector<16xf32>,
      %get3A_222 = arith.index_cast %add3A_212 : i32 to index
      %get3A_223 = arith.constant 48 : index
      %get3A_224 = tpu.vector_load %arg5[%get3A_222, %get3A_223] {strides = array<i32>} : memref<128x64xi32, #tpu.memory_space<vmem>>, vector<16xi32>,
      tpu.vector_store_idx %arg7[%broadcast_in_dim3A_14, %get3A_224], %broadcast_in_dim3A_10 : memref<2x16384xf32, #tpu.memory_space<vmem>>[vector<16xi32>, vector<16xi32>], vector<16xf32>,
      %mul3A_225 = arith.constant 2 : i32
      %mul3A_226 = arith.muli %mul3A_225, %add3A_187 : i32
      %add3A_227 = arith.constant 0 : i32
      %add3A_228 = arith.addi %mul3A_226, %add3A_227 : i32
      %get3A_229 = arith.index_cast %add3A_228 : i32 to index
      %get3A_230 = arith.constant 0 : index
      %get3A_231 = tpu.vector_load %arg5[%get3A_229, %get3A_230] {strides = array<i32>} : memref<128x64xi32, #tpu.memory_space<vmem>>, vector<16xi32>,
      %get3A_232 = arith.index_cast %add3A_228 : i32 to index
      %get3A_233 = arith.constant 0 : index
      %get3A_234 = tpu.vector_load %arg6[%get3A_232, %get3A_233] {strides = array<i32>} : memref<128x64xf32, #tpu.memory_space<vmem>>, vector<16xf32>,
      tpu.vector_store_idx %arg7[%broadcast_in_dim3A_12, %get3A_231], %get3A_234 {add = true} : memref<2x16384xf32, #tpu.memory_space<vmem>>[vector<16xi32>, vector<16xi32>], vector<16xf32>,
      %get3A_235 = arith.index_cast %add3A_228 : i32 to index
      %get3A_236 = arith.constant 16 : index
      %get3A_237 = tpu.vector_load %arg5[%get3A_235, %get3A_236] {strides = array<i32>} : memref<128x64xi32, #tpu.memory_space<vmem>>, vector<16xi32>,
      %get3A_238 = arith.index_cast %add3A_228 : i32 to index
      %get3A_239 = arith.constant 16 : index
      %get3A_240 = tpu.vector_load %arg6[%get3A_238, %get3A_239] {strides = array<i32>} : memref<128x64xf32, #tpu.memory_space<vmem>>, vector<16xf32>,
      tpu.vector_store_idx %arg7[%broadcast_in_dim3A_12, %get3A_237], %get3A_240 {add = true} : memref<2x16384xf32, #tpu.memory_space<vmem>>[vector<16xi32>, vector<16xi32>], vector<16xf32>,
      %get3A_241 = arith.index_cast %add3A_228 : i32 to index
      %get3A_242 = arith.constant 32 : index
      %get3A_243 = tpu.vector_load %arg5[%get3A_241, %get3A_242] {strides = array<i32>} : memref<128x64xi32, #tpu.memory_space<vmem>>, vector<16xi32>,
      %get3A_244 = arith.index_cast %add3A_228 : i32 to index
      %get3A_245 = arith.constant 32 : index
      %get3A_246 = tpu.vector_load %arg6[%get3A_244, %get3A_245] {strides = array<i32>} : memref<128x64xf32, #tpu.memory_space<vmem>>, vector<16xf32>,
      tpu.vector_store_idx %arg7[%broadcast_in_dim3A_12, %get3A_243], %get3A_246 {add = true} : memref<2x16384xf32, #tpu.memory_space<vmem>>[vector<16xi32>, vector<16xi32>], vector<16xf32>,
      %get3A_247 = arith.index_cast %add3A_228 : i32 to index
      %get3A_248 = arith.constant 48 : index
      %get3A_249 = tpu.vector_load %arg5[%get3A_247, %get3A_248] {strides = array<i32>} : memref<128x64xi32, #tpu.memory_space<vmem>>, vector<16xi32>,
      %get3A_250 = arith.index_cast %add3A_228 : i32 to index
      %get3A_251 = arith.constant 48 : index
      %get3A_252 = tpu.vector_load %arg6[%get3A_250, %get3A_251] {strides = array<i32>} : memref<128x64xf32, #tpu.memory_space<vmem>>, vector<16xf32>,
      tpu.vector_store_idx %arg7[%broadcast_in_dim3A_12, %get3A_249], %get3A_252 {add = true} : memref<2x16384xf32, #tpu.memory_space<vmem>>[vector<16xi32>, vector<16xi32>], vector<16xf32>,
      %mul3A_253 = arith.constant 2 : i32
      %mul3A_254 = arith.muli %mul3A_253, %add3A_187 : i32
      %add3A_255 = arith.constant 1 : i32
      %add3A_256 = arith.addi %mul3A_254, %add3A_255 : i32
      %get3A_257 = arith.index_cast %add3A_256 : i32 to index
      %get3A_258 = arith.constant 0 : index
      %get3A_259 = tpu.vector_load %arg5[%get3A_257, %get3A_258] {strides = array<i32>} : memref<128x64xi32, #tpu.memory_space<vmem>>, vector<16xi32>,
      %get3A_260 = arith.index_cast %add3A_256 : i32 to index
      %get3A_261 = arith.constant 0 : index
      %get3A_262 = tpu.vector_load %arg6[%get3A_260, %get3A_261] {strides = array<i32>} : memref<128x64xf32, #tpu.memory_space<vmem>>, vector<16xf32>,
      tpu.vector_store_idx %arg7[%broadcast_in_dim3A_14, %get3A_259], %get3A_262 {add = true} : memref<2x16384xf32, #tpu.memory_space<vmem>>[vector<16xi32>, vector<16xi32>], vector<16xf32>,
      %get3A_263 = arith.index_cast %add3A_256 : i32 to index
      %get3A_264 = arith.constant 16 : index
      %get3A_265 = tpu.vector_load %arg5[%get3A_263, %get3A_264] {strides = array<i32>} : memref<128x64xi32, #tpu.memory_space<vmem>>, vector<16xi32>,
      %get3A_266 = arith.index_cast %add3A_256 : i32 to index
      %get3A_267 = arith.constant 16 : index
      %get3A_268 = tpu.vector_load %arg6[%get3A_266, %get3A_267] {strides = array<i32>} : memref<128x64xf32, #tpu.memory_space<vmem>>, vector<16xf32>,
      tpu.vector_store_idx %arg7[%broadcast_in_dim3A_14, %get3A_265], %get3A_268 {add = true} : memref<2x16384xf32, #tpu.memory_space<vmem>>[vector<16xi32>, vector<16xi32>], vector<16xf32>,
      %get3A_269 = arith.index_cast %add3A_256 : i32 to index
      %get3A_270 = arith.constant 32 : index
      %get3A_271 = tpu.vector_load %arg5[%get3A_269, %get3A_270] {strides = array<i32>} : memref<128x64xi32, #tpu.memory_space<vmem>>, vector<16xi32>,
      %get3A_272 = arith.index_cast %add3A_256 : i32 to index
      %get3A_273 = arith.constant 32 : index
      %get3A_274 = tpu.vector_load %arg6[%get3A_272, %get3A_273] {strides = array<i32>} : memref<128x64xf32, #tpu.memory_space<vmem>>, vector<16xf32>,
      tpu.vector_store_idx %arg7[%broadcast_in_dim3A_14, %get3A_271], %get3A_274 {add = true} : memref<2x16384xf32, #tpu.memory_space<vmem>>[vector<16xi32>, vector<16xi32>], vector<16xf32>,
      %get3A_275 = arith.index_cast %add3A_256 : i32 to index
      %get3A_276 = arith.constant 48 : index
      %get3A_277 = tpu.vector_load %arg5[%get3A_275, %get3A_276] {strides = array<i32>} : memref<128x64xi32, #tpu.memory_space<vmem>>, vector<16xi32>,
      %get3A_278 = arith.index_cast %add3A_256 : i32 to index
      %get3A_279 = arith.constant 48 : index
      %get3A_280 = tpu.vector_load %arg6[%get3A_278, %get3A_279] {strides = array<i32>} : memref<128x64xf32, #tpu.memory_space<vmem>>, vector<16xf32>,
      tpu.vector_store_idx %arg7[%broadcast_in_dim3A_14, %get3A_277], %get3A_280 {add = true} : memref<2x16384xf32, #tpu.memory_space<vmem>>[vector<16xi32>, vector<16xi32>], vector<16xf32>,
      %mul3A_281 = arith.constant 2 : i32
      %mul3A_282 = arith.muli %mul3A_281, %add3A_187 : i32
      %add3A_283 = arith.addi %mul3A_2, %mul3A_282 : i32
      %dma_start3A_284 = arith.constant 0 : i32
      %dma_start3A_285 = tpu.memref_slice %arg4[%add3A_283, %dma_start3A_284] : memref<4096x16384xf32, #tpu.memory_space<hbm>> -> memref<2x16384xf32, #tpu.memory_space<hbm>>
      %dma_start3A_286 = arith.constant 0 : i32
      %dma_start3A_287 = tpu.memref_slice %arg4[%add3A_283, %dma_start3A_286] : memref<4096x16384xf32, #tpu.memory_space<hbm>> -> memref<2x16384xf32, #tpu.memory_space<hbm>>
      tpu.enqueue_dma source(%arg7 : memref<2x16384xf32, #tpu.memory_space<vmem>>) target(%dma_start3A_287 : memref<2x16384xf32, #tpu.memory_space<hbm>>) target_semaphore(%arg9 : memref<!tpu.dma_semaphore, #tpu.memory_space<semaphore_mem>>)
      %mul3A_288 = arith.constant 2 : i32
      %mul3A_289 = arith.muli %mul3A_288, %scan3A_182 : i32
      %add3A_290 = arith.constant 1 : i32
      %add3A_291 = arith.addi %mul3A_289, %add3A_290 : i32
      %dma_wait3A_292 = arith.constant 0 : i32
      %dma_wait3A_293 = tpu.memref_slice %arg4[%mul3A_2, %dma_wait3A_292] : memref<4096x16384xf32, #tpu.memory_space<hbm>> -> memref<2x16384xf32, #tpu.memory_space<hbm>>
      %dma_wait3A_294 = arith.constant 0 : i32
      %dma_wait3A_295 = tpu.memref_slice %arg4[%mul3A_2, %dma_wait3A_294] : memref<4096x16384xf32, #tpu.memory_space<hbm>> -> memref<2x16384xf32, #tpu.memory_space<hbm>>
      tpu.wait_dma2 semaphore(%arg10 : memref<!tpu.dma_semaphore, #tpu.memory_space<semaphore_mem>>) src(%arg8 : memref<2x16384xf32, #tpu.memory_space<vmem>>) dst(%dma_wait3A_295 : memref<2x16384xf32, #tpu.memory_space<hbm>>)
      %sub3A_296 = arith.constant 2 : i32
      %sub3A_297 = arith.subi %add3A_291, %sub3A_296 : i32
      %mul3A_298 = arith.constant 2 : i32
      %mul3A_299 = arith.muli %mul3A_298, %sub3A_297 : i32
      %add3A_300 = arith.constant 0 : i32
      %add3A_301 = arith.addi %mul3A_299, %add3A_300 : i32
      %get3A_302 = arith.index_cast %add3A_301 : i32 to index
      %get3A_303 = arith.constant 0 : index
      %get3A_304 = tpu.vector_load %arg5[%get3A_302, %get3A_303] {strides = array<i32>} : memref<128x64xi32, #tpu.memory_space<vmem>>, vector<16xi32>,
      tpu.vector_store_idx %arg8[%broadcast_in_dim3A_12, %get3A_304], %broadcast_in_dim3A_10 : memref<2x16384xf32, #tpu.memory_space<vmem>>[vector<16xi32>, vector<16xi32>], vector<16xf32>,
      %get3A_305 = arith.index_cast %add3A_301 : i32 to index
      %get3A_306 = arith.constant 16 : index
      %get3A_307 = tpu.vector_load %arg5[%get3A_305, %get3A_306] {strides = array<i32>} : memref<128x64xi32, #tpu.memory_space<vmem>>, vector<16xi32>,
      tpu.vector_store_idx %arg8[%broadcast_in_dim3A_12, %get3A_307], %broadcast_in_dim3A_10 : memref<2x16384xf32, #tpu.memory_space<vmem>>[vector<16xi32>, vector<16xi32>], vector<16xf32>,
      %get3A_308 = arith.index_cast %add3A_301 : i32 to index
      %get3A_309 = arith.constant 32 : index
      %get3A_310 = tpu.vector_load %arg5[%get3A_308, %get3A_309] {strides = array<i32>} : memref<128x64xi32, #tpu.memory_space<vmem>>, vector<16xi32>,
      tpu.vector_store_idx %arg8[%broadcast_in_dim3A_12, %get3A_310], %broadcast_in_dim3A_10 : memref<2x16384xf32, #tpu.memory_space<vmem>>[vector<16xi32>, vector<16xi32>], vector<16xf32>,
      %get3A_311 = arith.index_cast %add3A_301 : i32 to index
      %get3A_312 = arith.constant 48 : index
      %get3A_313 = tpu.vector_load %arg5[%get3A_311, %get3A_312] {strides = array<i32>} : memref<128x64xi32, #tpu.memory_space<vmem>>, vector<16xi32>,
      tpu.vector_store_idx %arg8[%broadcast_in_dim3A_12, %get3A_313], %broadcast_in_dim3A_10 : memref<2x16384xf32, #tpu.memory_space<vmem>>[vector<16xi32>, vector<16xi32>], vector<16xf32>,
      %mul3A_314 = arith.constant 2 : i32
      %mul3A_315 = arith.muli %mul3A_314, %sub3A_297 : i32
      %add3A_316 = arith.constant 1 : i32
      %add3A_317 = arith.addi %mul3A_315, %add3A_316 : i32
      %get3A_318 = arith.index_cast %add3A_317 : i32 to index
      %get3A_319 = arith.constant 0 : index
      %get3A_320 = tpu.vector_load %arg5[%get3A_318, %get3A_319] {strides = array<i32>} : memref<128x64xi32, #tpu.memory_space<vmem>>, vector<16xi32>,
      tpu.vector_store_idx %arg8[%broadcast_in_dim3A_14, %get3A_320], %broadcast_in_dim3A_10 : memref<2x16384xf32, #tpu.memory_space<vmem>>[vector<16xi32>, vector<16xi32>], vector<16xf32>,
      %get3A_321 = arith.index_cast %add3A_317 : i32 to index
      %get3A_322 = arith.constant 16 : index
      %get3A_323 = tpu.vector_load %arg5[%get3A_321, %get3A_322] {strides = array<i32>} : memref<128x64xi32, #tpu.memory_space<vmem>>, vector<16xi32>,
      tpu.vector_store_idx %arg8[%broadcast_in_dim3A_14, %get3A_323], %broadcast_in_dim3A_10 : memref<2x16384xf32, #tpu.memory_space<vmem>>[vector<16xi32>, vector<16xi32>], vector<16xf32>,
      %get3A_324 = arith.index_cast %add3A_317 : i32 to index
      %get3A_325 = arith.constant 32 : index
      %get3A_326 = tpu.vector_load %arg5[%get3A_324, %get3A_325] {strides = array<i32>} : memref<128x64xi32, #tpu.memory_space<vmem>>, vector<16xi32>,
      tpu.vector_store_idx %arg8[%broadcast_in_dim3A_14, %get3A_326], %broadcast_in_dim3A_10 : memref<2x16384xf32, #tpu.memory_space<vmem>>[vector<16xi32>, vector<16xi32>], vector<16xf32>,
      %get3A_327 = arith.index_cast %add3A_317 : i32 to index
      %get3A_328 = arith.constant 48 : index
      %get3A_329 = tpu.vector_load %arg5[%get3A_327, %get3A_328] {strides = array<i32>} : memref<128x64xi32, #tpu.memory_space<vmem>>, vector<16xi32>,
      tpu.vector_store_idx %arg8[%broadcast_in_dim3A_14, %get3A_329], %broadcast_in_dim3A_10 : memref<2x16384xf32, #tpu.memory_space<vmem>>[vector<16xi32>, vector<16xi32>], vector<16xf32>,
      %mul3A_330 = arith.constant 2 : i32
      %mul3A_331 = arith.muli %mul3A_330, %add3A_291 : i32
      %add3A_332 = arith.constant 0 : i32
      %add3A_333 = arith.addi %mul3A_331, %add3A_332 : i32
      %get3A_334 = arith.index_cast %add3A_333 : i32 to index
      %get3A_335 = arith.constant 0 : index
      %get3A_336 = tpu.vector_load %arg5[%get3A_334, %get3A_335] {strides = array<i32>} : memref<128x64xi32, #tpu.memory_space<vmem>>, vector<16xi32>,
      %get3A_337 = arith.index_cast %add3A_333 : i32 to index
      %get3A_338 = arith.constant 0 : index
      %get3A_339 = tpu.vector_load %arg6[%get3A_337, %get3A_338] {strides = array<i32>} : memref<128x64xf32, #tpu.memory_space<vmem>>, vector<16xf32>,
      tpu.vector_store_idx %arg8[%broadcast_in_dim3A_12, %get3A_336], %get3A_339 {add = true} : memref<2x16384xf32, #tpu.memory_space<vmem>>[vector<16xi32>, vector<16xi32>], vector<16xf32>,
      %get3A_340 = arith.index_cast %add3A_333 : i32 to index
      %get3A_341 = arith.constant 16 : index
      %get3A_342 = tpu.vector_load %arg5[%get3A_340, %get3A_341] {strides = array<i32>} : memref<128x64xi32, #tpu.memory_space<vmem>>, vector<16xi32>,
      %get3A_343 = arith.index_cast %add3A_333 : i32 to index
      %get3A_344 = arith.constant 16 : index
      %get3A_345 = tpu.vector_load %arg6[%get3A_343, %get3A_344] {strides = array<i32>} : memref<128x64xf32, #tpu.memory_space<vmem>>, vector<16xf32>,
      tpu.vector_store_idx %arg8[%broadcast_in_dim3A_12, %get3A_342], %get3A_345 {add = true} : memref<2x16384xf32, #tpu.memory_space<vmem>>[vector<16xi32>, vector<16xi32>], vector<16xf32>,
      %get3A_346 = arith.index_cast %add3A_333 : i32 to index
      %get3A_347 = arith.constant 32 : index
      %get3A_348 = tpu.vector_load %arg5[%get3A_346, %get3A_347] {strides = array<i32>} : memref<128x64xi32, #tpu.memory_space<vmem>>, vector<16xi32>,
      %get3A_349 = arith.index_cast %add3A_333 : i32 to index
      %get3A_350 = arith.constant 32 : index
      %get3A_351 = tpu.vector_load %arg6[%get3A_349, %get3A_350] {strides = array<i32>} : memref<128x64xf32, #tpu.memory_space<vmem>>, vector<16xf32>,
      tpu.vector_store_idx %arg8[%broadcast_in_dim3A_12, %get3A_348], %get3A_351 {add = true} : memref<2x16384xf32, #tpu.memory_space<vmem>>[vector<16xi32>, vector<16xi32>], vector<16xf32>,
      %get3A_352 = arith.index_cast %add3A_333 : i32 to index
      %get3A_353 = arith.constant 48 : index
      %get3A_354 = tpu.vector_load %arg5[%get3A_352, %get3A_353] {strides = array<i32>} : memref<128x64xi32, #tpu.memory_space<vmem>>, vector<16xi32>,
      %get3A_355 = arith.index_cast %add3A_333 : i32 to index
      %get3A_356 = arith.constant 48 : index
      %get3A_357 = tpu.vector_load %arg6[%get3A_355, %get3A_356] {strides = array<i32>} : memref<128x64xf32, #tpu.memory_space<vmem>>, vector<16xf32>,
      tpu.vector_store_idx %arg8[%broadcast_in_dim3A_12, %get3A_354], %get3A_357 {add = true} : memref<2x16384xf32, #tpu.memory_space<vmem>>[vector<16xi32>, vector<16xi32>], vector<16xf32>,
      %mul3A_358 = arith.constant 2 : i32
      %mul3A_359 = arith.muli %mul3A_358, %add3A_291 : i32
      %add3A_360 = arith.constant 1 : i32
      %add3A_361 = arith.addi %mul3A_359, %add3A_360 : i32
      %get3A_362 = arith.index_cast %add3A_361 : i32 to index
      %get3A_363 = arith.constant 0 : index
      %get3A_364 = tpu.vector_load %arg5[%get3A_362, %get3A_363] {strides = array<i32>} : memref<128x64xi32, #tpu.memory_space<vmem>>, vector<16xi32>,
      %get3A_365 = arith.index_cast %add3A_361 : i32 to index
      %get3A_366 = arith.constant 0 : index
      %get3A_367 = tpu.vector_load %arg6[%get3A_365, %get3A_366] {strides = array<i32>} : memref<128x64xf32, #tpu.memory_space<vmem>>, vector<16xf32>,
      tpu.vector_store_idx %arg8[%broadcast_in_dim3A_14, %get3A_364], %get3A_367 {add = true} : memref<2x16384xf32, #tpu.memory_space<vmem>>[vector<16xi32>, vector<16xi32>], vector<16xf32>,
      %get3A_368 = arith.index_cast %add3A_361 : i32 to index
      %get3A_369 = arith.constant 16 : index
      %get3A_370 = tpu.vector_load %arg5[%get3A_368, %get3A_369] {strides = array<i32>} : memref<128x64xi32, #tpu.memory_space<vmem>>, vector<16xi32>,
      %get3A_371 = arith.index_cast %add3A_361 : i32 to index
      %get3A_372 = arith.constant 16 : index
      %get3A_373 = tpu.vector_load %arg6[%get3A_371, %get3A_372] {strides = array<i32>} : memref<128x64xf32, #tpu.memory_space<vmem>>, vector<16xf32>,
      tpu.vector_store_idx %arg8[%broadcast_in_dim3A_14, %get3A_370], %get3A_373 {add = true} : memref<2x16384xf32, #tpu.memory_space<vmem>>[vector<16xi32>, vector<16xi32>], vector<16xf32>,
      %get3A_374 = arith.index_cast %add3A_361 : i32 to index
      %get3A_375 = arith.constant 32 : index
      %get3A_376 = tpu.vector_load %arg5[%get3A_374, %get3A_375] {strides = array<i32>} : memref<128x64xi32, #tpu.memory_space<vmem>>, vector<16xi32>,
      %get3A_377 = arith.index_cast %add3A_361 : i32 to index
      %get3A_378 = arith.constant 32 : index
      %get3A_379 = tpu.vector_load %arg6[%get3A_377, %get3A_378] {strides = array<i32>} : memref<128x64xf32, #tpu.memory_space<vmem>>, vector<16xf32>,
      tpu.vector_store_idx %arg8[%broadcast_in_dim3A_14, %get3A_376], %get3A_379 {add = true} : memref<2x16384xf32, #tpu.memory_space<vmem>>[vector<16xi32>, vector<16xi32>], vector<16xf32>,
      %get3A_380 = arith.index_cast %add3A_361 : i32 to index
      %get3A_381 = arith.constant 48 : index
      %get3A_382 = tpu.vector_load %arg5[%get3A_380, %get3A_381] {strides = array<i32>} : memref<128x64xi32, #tpu.memory_space<vmem>>, vector<16xi32>,
      %get3A_383 = arith.index_cast %add3A_361 : i32 to index
      %get3A_384 = arith.constant 48 : index
      %get3A_385 = tpu.vector_load %arg6[%get3A_383, %get3A_384] {strides = array<i32>} : memref<128x64xf32, #tpu.memory_space<vmem>>, vector<16xf32>,
      tpu.vector_store_idx %arg8[%broadcast_in_dim3A_14, %get3A_382], %get3A_385 {add = true} : memref<2x16384xf32, #tpu.memory_space<vmem>>[vector<16xi32>, vector<16xi32>], vector<16xf32>,
      %mul3A_386 = arith.constant 2 : i32
      %mul3A_387 = arith.muli %mul3A_386, %add3A_291 : i32
      %add3A_388 = arith.addi %mul3A_2, %mul3A_387 : i32
      %dma_start3A_389 = arith.constant 0 : i32
      %dma_start3A_390 = tpu.memref_slice %arg4[%add3A_388, %dma_start3A_389] : memref<4096x16384xf32, #tpu.memory_space<hbm>> -> memref<2x16384xf32, #tpu.memory_space<hbm>>
      %dma_start3A_391 = arith.constant 0 : i32
      %dma_start3A_392 = tpu.memref_slice %arg4[%add3A_388, %dma_start3A_391] : memref<4096x16384xf32, #tpu.memory_space<hbm>> -> memref<2x16384xf32, #tpu.memory_space<hbm>>
      tpu.enqueue_dma source(%arg8 : memref<2x16384xf32, #tpu.memory_space<vmem>>) target(%dma_start3A_392 : memref<2x16384xf32, #tpu.memory_space<hbm>>) target_semaphore(%arg10 : memref<!tpu.dma_semaphore, #tpu.memory_space<semaphore_mem>>)
      %scan3A_393 = arith.constant 0 : i32
      scf.yield %scan3A_393 : i32
    }
    %scan3A_173 = arith.constant 31 : i32
    %dma_wait3A_174 = arith.constant 0 : i32
    %dma_wait3A_175 = tpu.memref_slice %arg4[%mul3A_2, %dma_wait3A_174] : memref<4096x16384xf32, #tpu.memory_space<hbm>> -> memref<2x16384xf32, #tpu.memory_space<hbm>>
    %dma_wait3A_176 = arith.constant 0 : i32
    %dma_wait3A_177 = tpu.memref_slice %arg4[%mul3A_2, %dma_wait3A_176] : memref<4096x16384xf32, #tpu.memory_space<hbm>> -> memref<2x16384xf32, #tpu.memory_space<hbm>>
    tpu.wait_dma2 semaphore(%arg9 : memref<!tpu.dma_semaphore, #tpu.memory_space<semaphore_mem>>) src(%arg7 : memref<2x16384xf32, #tpu.memory_space<vmem>>) dst(%dma_wait3A_177 : memref<2x16384xf32, #tpu.memory_space<hbm>>)
    %dma_wait3A_178 = arith.constant 0 : i32
    %dma_wait3A_179 = tpu.memref_slice %arg4[%mul3A_2, %dma_wait3A_178] : memref<4096x16384xf32, #tpu.memory_space<hbm>> -> memref<2x16384xf32, #tpu.memory_space<hbm>>
    %dma_wait3A_180 = arith.constant 0 : i32
    %dma_wait3A_181 = tpu.memref_slice %arg4[%mul3A_2, %dma_wait3A_180] : memref<4096x16384xf32, #tpu.memory_space<hbm>> -> memref<2x16384xf32, #tpu.memory_space<hbm>>
    tpu.wait_dma2 semaphore(%arg10 : memref<!tpu.dma_semaphore, #tpu.memory_space<semaphore_mem>>) src(%arg8 : memref<2x16384xf32, #tpu.memory_space<vmem>>) dst(%dma_wait3A_181 : memref<2x16384xf32, #tpu.memory_space<hbm>>)
    return
  }
}

</mosaic_0001>

<sc_bundles>
// kernel: _sparse2dense.3.cloned.1.call-start
scs
__scs_entry_jumppad:
0x0: {  	(pc) =	sbr.rel $0x88, $3  }
0x1: {  	(tag) =	ssettag $0x0;
	lr =	simm.s32 $0x1  }
0x2: {  	[smem:$0x3F9F] =	sst lr;
	_ =	strace $0xD0000000  }
0x3: {  	_ = 	snop  }
0x4: {  	_ = 	snop  }
0x5: {  	_ = 	snop  }
0x6: {  	_ = 	snop  }
0x7: {  	_ = 	snop  }
__scs_overlays_trampoline_lowered:
0x8: {  	[smem:$0x3FAE] =	sst s0  }
0x9: {  	[smem:$0x3FAF] =	sst s1  }
0xa: {  	[smem:$0x3FB0] =	sst s2  }
0xb: {  	[smem:$0x3FB1] =	sst s3  }
0xc: {  	[smem:$0x3FB2] =	sst s4  }
0xd: {  	[smem:$0x3FB3] =	sst s5  }
0xe: {  	[smem:$0x3FB4] =	sst s6  }
0xf: {  	[smem:$0x3FB5] =	sst s7  }
0x10: {  	[smem:$0x3FB6] =	sst s8  }
0x11: {  	[smem:$0x3FB7] =	sst s9;
	s0 =	simm.s32 @!p0 $0x0  }
0x12: {  	s1 =	sld [smem:$0x3F9D];
	s0 =	simm.s32 @p0 $0x1  }
0x13: {  	[smem:$0x3FB8] =	sst s0;
	s0 =	simm.s32 @!p1 $0x0  }
0x14: {  	s2 =	sld [smem:$0x3F9C];
	s0 =	simm.s32 @p1 $0x1  }
0x15: {  	[smem:$0x3FB9] =	sst s0;
	s0 =	simm.s32 @!p2 $0x0  }
0x16: {  	s3 =	sld [smem:$0x3FDB];
	s0 =	simm.s32 @p2 $0x1  }
0x17: {  	s4 =	simm.s32 $0x1BF5;
	[smem:$0x3FBB] =	sst s0  }
0x18: {  	s0 =	sld [smem:$0x3F9E];
	_ =	swait.ge [sflag:s4], $0x0  }
0x19: {  	s7 =	sld [smem:$0x3F9F]  }
0x1a: {  	s8 =	sadd.s32 $0xFFFFE003, lr  }
0x1b: {  	s9 =	sadd.s32 $0xFFFFFEF7, lr;
	s5 =	simm.s32 $0xFFFFFFFF;
	p2 =	slt.u32 s8, $0xFFFFF086  }
0x1c: {  	p1 =	slt.u32 s9, $0xF7A;
	s5 =	simm.s32 @!p2 $0x0  }
0x1d: {  	s5 =	simm.s32 @p1 $0x1;
	p0 =	seq.s32 s7, s2  }
0x1e: {  	s7 =	smul.u32 @!p0 $0xF7A, s2;
	p2 =	seq.s32 @!p0 s5, $0x0  }
0x1f: {  	s9 =	smul.u32 $0xF7A, s1;
	s8 =	simm.s32 @!p0 $0x1BF5;
	p2 =	por !p2, p0  }
0x20: {  	[sflag:s8] =	ssyncset.s32 @!p0 $0xFFFFF086;
	s6 =	sadd.s32 @!p0 s3, s7;
	s7 =	simm.s32 @!p0 $0x108  }
0x21: {  	s3 =	sadd.s32 s3, s9;
	s6 =	sadd.s32 @!p0 $0x88, s6;
	s7 =	simm.s32 @p2 $0x1082  }
0x22: {  	[simem:s7], [sflag:s8] =	dma.local @!p0 [hbm:s6], $0xF7A  }
0x23: {  	s9 =	sor.u32 $0xD0000000, s2;
	s6 =	simm.s32 $0x108;
	_ =	swait.ge @!p0 [sflag:s8], $0x0  }
0x24: {  	s3 =	sadd.s32 $0x88, s3;
	s6 =	simm.s32 @!p1 $0x1082;
	[sflag:s4] =	ssyncset.s32 $0xFFFFF086  }
0x25: {  	[simem:s6], [sflag:s4] =	dma.local [hbm:s3], $0xF7A  }
0x26: {  	[smem:$0x3F9F] =	sst s1;
	(tag) =	ssettag s2;
	_ =	strace s9  }
0x27: {  	s1 =	sld [smem:$0x3FAF]  }
0x28: {  	s2 =	sld [smem:$0x3FB0]  }
0x29: {  	s4 =	sld [smem:$0x3FB2]  }
0x2a: {  	p0 =	seq.s32 s5, $0x0;
	s5 =	sld [smem:$0x3FB3]  }
0x2b: {  	s6 =	sld [smem:$0x3FB4]  }
0x2c: {  	s7 =	sld [smem:$0x3FB5]  }
0x2d: {  	s3 =	simm.s32 $0x108;
	s8 =	sld [smem:$0x3FB6]  }
0x2e: {  	s3 =	simm.s32 @!p0 $0x1082;
	s9 =	sld [smem:$0x3FB7]  }
0x2f: {  	lr =	sadd.s32 s0, s3;
	s0 =	sld [smem:$0x3FAE]  }
0x30: {  	s3 =	sld [smem:$0x3FB1]  }
0x31: {  	[smem:$0x3FBA] =	sst s10  }
0x32: {  	s10 =	sld [smem:$0x3FB8];
	_ =	sdelay $0x3  }
0x33: {  	p0 =	seq.s32 s10, $0x1;
	s10 =	sld [smem:$0x3FBA];
	_ =	sdelay $0x3  }
0x34: {  	[smem:$0x3FBA] =	sst s10  }
0x35: {  	s10 =	sld [smem:$0x3FB9];
	_ =	sdelay $0x3  }
0x36: {  	p1 =	seq.s32 s10, $0x1;
	s10 =	sld [smem:$0x3FBA];
	_ =	sdelay $0x3  }
0x37: {  	[smem:$0x3FBA] =	sst s10  }
0x38: {  	s10 =	sld [smem:$0x3FBB]  }
0x39: {  	_ = 	snop;
	(pc) =	sbr.ind lr, $3  }
0x3a: {  	_ = 	snop  }
0x3b: {  	_ = 	snop  }
0x3c: {  	p2 =	seq.s32 s10, $0x1;
	s10 =	sld [smem:$0x3FBA]  }
0x3d: {  	_ =	shalt  }
0x3e: {  	_ =	shalt  }
0x3f: {  	_ =	shalt  }
0x40: {  	_ =	shalt  }
0x41: {  	_ =	shalt  }
0x42: {  	_ =	shalt  }
0x43: {  	_ =	shalt  }
0x44: {  	_ =	shalt  }
0x45: {  	_ =	shalt  }
0x46: {  	_ =	shalt  }
0x47: {  	_ =	shalt  }
0x48: {  	_ =	shalt  }
0x49: {  	_ =	shalt  }
0x4a: {  	_ =	shalt  }
0x4b: {  	_ =	shalt  }
0x4c: {  	_ =	shalt  }
0x4d: {  	_ =	shalt  }
0x4e: {  	_ =	shalt  }
0x4f: {  	_ =	shalt  }
0x50: {  	_ =	shalt  }
0x51: {  	_ =	shalt  }
0x52: {  	_ =	shalt  }
0x53: {  	_ =	shalt  }
0x54: {  	_ =	shalt  }
0x55: {  	_ =	shalt  }
0x56: {  	_ =	shalt  }
0x57: {  	_ =	shalt  }
0x58: {  	_ =	shalt  }
0x59: {  	_ =	shalt  }
0x5a: {  	_ =	shalt  }
0x5b: {  	_ =	shalt  }
0x5c: {  	_ =	shalt  }
0x5d: {  	_ =	shalt  }
0x5e: {  	_ =	shalt  }
0x5f: {  	_ =	shalt  }
0x60: {  	_ =	shalt  }
0x61: {  	_ =	shalt  }
0x62: {  	_ =	shalt  }
0x63: {  	_ =	shalt  }
0x64: {  	_ =	shalt  }
0x65: {  	_ =	shalt  }
0x66: {  	_ =	shalt  }
0x67: {  	_ =	shalt  }
0x68: {  	_ =	shalt  }
0x69: {  	_ =	shalt  }
0x6a: {  	_ =	shalt  }
0x6b: {  	_ =	shalt  }
0x6c: {  	_ =	shalt  }
0x6d: {  	_ =	shalt  }
0x6e: {  	_ =	shalt  }
0x6f: {  	_ =	shalt  }
0x70: {  	_ =	shalt  }
0x71: {  	_ =	shalt  }
0x72: {  	_ =	shalt  }
0x73: {  	_ =	shalt  }
0x74: {  	_ =	shalt  }
0x75: {  	_ =	shalt  }
0x76: {  	_ =	shalt  }
0x77: {  	_ =	shalt  }
0x78: {  	_ =	shalt  }
0x79: {  	_ =	shalt  }
0x7a: {  	_ =	shalt  }
0x7b: {  	_ =	shalt  }
0x7c: {  	_ =	shalt  }
0x7d: {  	_ =	shalt  }
0x7e: {  	_ =	shalt  }
0x7f: {  	_ =	shalt  }
0x80: {  	_ =	shalt  }
0x81: {  	_ =	shalt  }
0x82: {  	_ =	shalt  }
0x83: {  	_ =	shalt  }
0x84: {  	_ =	shalt  }
0x85: {  	_ =	shalt  }
0x86: {  	_ =	shalt  }
0x87: {  	_ =	shalt  }
.Lfunc_end0:
.L_simem_size_0:
called_computation_lowered:
.L_overlay_start_0:
0x88: {  	s2 =	sld [smem:$0x3FD9]  }
0x89: {  	s3 =	sld [smem:$0x3FFE];
	_ =	sdelay $0x1  }
0x8a: {  	s1 =	srdreg.scid  }
0x8b: {  	s0 =	sand.u32 $0x1, s1  }
0x8c: {  	s17 =	sshll.u32 s0, $0xA;
	s2 =	sadd.s32 s3, s2  }
0x8d: {  	s2 =	sadd.s32 s2, s17  }
0x8e: {  	[smem:$0x3FC6] =	sst s2  }
0x8f: {  	_ = 	snop  }
0x90: {  	s2 =	sld [smem:$0x3FD0];
	(tm) =	ssettm $0x1  }
0x91: {  	s18 =	sld [smem:$0x3FFB];
	_ =	sdelay $0x3  }
0x92: {  	_ =	strace s18  }
0x93: {  	s3 =	sld [smem:$0x3FFC];
	_ =	sdelay $0x3  }
0x94: {  	_ =	strace s3  }
0x95: {  	s3 =	sld [smem:$0x3FFD];
	_ =	sdelay $0x3  }
0x96: {  	_ =	strace s3  }
0x97: {  	_ =	strace $0x8FFFFFFF  }
0x98: {  	s19 =	sld [smem:$0x3FDB];
	_ =	sdelay $0x1  }
0x99: {  	s4 =	simm.s32 $_scs_section_size  }
0x9a: {  	s5 =	simm.s32 $_size__tile_overlayer_lowered;
	s6 =	simm.s32 $_tile_overlayer_lowered  }
0x9b: {  	s22 =	simm.s32 $0x1BFF;
	s21 =	sshll.u32 s6, $0x1;
	s3 =	sadd.s32 s4, s19  }
0x9c: {  	s7 =	simm.s32 $0x0;
	s20 =	sshll.u32 s5, $0x1;
	s5 =	sadd.s32 s21, s3  }
0x9d: {  	[timem:s7], [sflag:s22] =	dma.local [hbm:s5], s20  }
0x9e: {  	_ =	swait.ge [sflag:s22], s20  }
0x9f: {  	s4 =	ssub.s32 $0x0, s20;
	[sflag:s22] =	ssyncset.done $0x0  }
0xa0: {  	[sflag:s22] =	ssyncadd.s32 s4;
	_ =	sdelay $0x1  }
0xa1: {  	s23 =	simm.s32 $0x1B8B  }
0xa2: {  	_ =	swait.ge [sflag:s23], $0x1  }
0xa3: {  	[sflag:s23] =	ssyncset.done $0x0  }
0xa4: {  	s25 =	simm.s32 $0x1B8E;
	s24 =	sld [smem:$0x3FFE];
	[sflag:s23] =	ssyncadd.s32 $0xFFFFFFFF  }
0xa5: {  	s26 =	simm.s32 $execute0_lowered;
	[smem:$0x3FD2] =	sst s25  }
0xa6: {  	s5 =	sshll.u32 s26, $0x1;
	_ =	strace $0x80000046;
	[dreg:$0x1] =	wrdreg $0xFFFFFFFF  }
0xa7: {  	s28 =	simm.s32 $_size_execute0_lowered;
	s3 =	sadd.s32 s3, s5;
	[dreg:$0x0] =	wrdreg $0x0  }
0xa8: {  	s5 =	sshll.u32 s28, $0x1;
	[dreg:$0x2] =	wrdreg s3  }
0xa9: {  	[dreg:$0x3] =	wrdreg s5  }
0xaa: {  	[dreg:$0x4] =	wrdreg $0xC0  }
0xab: {  	_ =	task [dreg:s7], $0x5FFFF  }
0xac: {  	[dreg:$0x1] =	wrdreg $0xFFFFFFFF  }
0xad: {  	[dreg:$0x0] =	wrdreg $0x60  }
0xae: {  	[dreg:$0x2] =	wrdreg s24  }
0xaf: {  	[dreg:$0x3] =	wrdreg s2  }
0xb0: {  	[dreg:$0x4] =	wrdreg $0x9  }
0xb1: {  	_ =	task.clear_ibuf [dreg:s7], $0x5FFFF;
	_ =	strace $0x90000046  }
0xb2: {  	s29 =	simm.s32 $0x9;
	_ =	strace $0x80000048  }
0xb3: {  	_ =	swait.ge [sflag:s29], $0x1  }
0xb4: {  	[sflag:s29] =	ssyncadd.s32 $0xFFFFFFFF  }
0xb5: {  	_ =	strace $0x90000048  }
0xb6: {  	_ =	sfence  }
0xb7: {  	s30 =	sld [smem:$0x0];
	_ =	sdelay $0x2  }
0xb8: {  	s31 =	sshll.u32 s1, $0xD;
	s1 =	sshrl.u32 s1, $0x2  }
0xb9: {  	s3 =	sand.u32 $0x4000, s31;
	s1 =	sadd.s32 s1, s30  }
0xba: {  	s0 =	sor.u32 s3, s0;
	s1 =	sshll.u32 s1, $0x11  }
0xbb: {  	s0 =	sor.u32 s1, s0  }
0xbc: {  	s0 =	sadd.s32 $0x8F2B, s0  }
0xbd: {  	[sflag:s0] =	ssyncadd.remote.s32 $0x1  }
0xbe: {  	_ =	sfence.sel $0xFFFF  }
0xbf: {  	[dreg:$0x0] =	wrdreg $0xFFFFFFFF;
	(pc) =	sbr.abs _section_cstart, $3  }
0xc0: {  	[dreg:$0x1] =	wrdreg $0xFFFFFFFF  }
0xc1: {  	_ =	task.clear_ibuf [dreg:s7], $0x2FFFF;
	_ =	strace $0x9FFFFFFF  }
0xc2: {  	(tm) =	ssettm $0x7FFFFFFF  }
0xc3: {  	_ =	shalt  }
tec
execute0_lowered:
.L_overlay_start_1:
0x0: {  	(tag) =	ssettag $0x1  }
0x1: {  	s4 =	rddreg [dreg:$0x0]  }
0x2: {  	s2 =	rddreg [dreg:$0x1]  }
0x3: {  	s0 =	rddreg [dreg:$0x2];
	s5 =	srdreg.scid  }
0x4: {  	s3 =	simm.s32 $0x0;
	s1 =	stileid.u32;
	s11 =	simm.s32 $0x1  }
0x5: {  	s12 =	simm.s32 $0x2;
	s13 =	simm.s32 $0x8000;
	s14 =	simm.s32 $0x100  }
0x6: {  	s15 =	simm.s32 $0x400;
	s16 =	simm.s32 $0x10000;
	s17 =	simm.s32 $0x0  }
0x7: {  	s9 =	sand.u32 $0x1, s5;
	[smem:$0x7FF] =	sst s3;
	s30 =	sshll.u32 s1, $0x8  }
0x8: {  	s10 =	sshll.u32 s1, $0x13;
	s6 =	sshll.u32 s9, $0x7;
	_ =	strace $0x80000047  }
0x9: {  	s31 =	ssub.s32 $0x2, s9;
	s9 =	sshll.u32 s9, $0x12;
	s5 =	sor.u32 s6, s30  }
0xa: {  	s8 =	sshrl.u32 s31, $0x1;
	s9 =	sor.u32 s9, s10;
	s10 =	simm.s32 $0x4000  }
0xb: {  	s7 =	sshll.u32 s5, $0x4;
	s5 =	sshll.u32 s5, $0xB;
	s8 =	ssub.s32 s31, s8  }
0xc: {  	s7 =	sadd.s32 s7, s4;
	s4 =	sadd.s32 s2, s5;
	s8 =	smax.u32 s8, $0x1  }
0xd: {  	v0 =	vimm.f32 $0.0e+00;
	s5 =	sadd.s32 $0x600, s7;
	s6 =	sadd.s32 $0x10600, s7;
	s7 =	sadd.s32 $0x20, s4  }
.LBB2_1:
0xe: {  	[tilespmem:s3], [sflag:$0x1] =	stream.linear.gather [hbm4b:s5+s3], $0x4000, $0x38;
	[tilespmem:$0x18000] =	vst v63  }
0xf: {  	s19 =	simm.s32 $0x8080  }
0x10: {  	[tilespmem:s10], [sflag:$0x2] =	stream.linear.gather [hbm4b:s6+s3], $0x4000, $0x38;
	[tilespmem:$0x18000] =	vst v63  }
0x11: {  	s18 =	simm.s32 $0x10080;
	[tilespmem:s19+$0xFFFFFF80] =	vst v0  }
0x12: {  	[tilespmem:s18+$0xFFFFFF80] =	vst v0  }
0x13: {  	[tilespmem:s19+$0x0] =	vst v0  }
0x14: {  	[tilespmem:s18+$0x0] =	vst v0  }
0x15: {  	[tilespmem:s19+$0xFFFFFF90] =	vst v0  }
0x16: {  	[tilespmem:s18+$0xFFFFFF90] =	vst v0  }
0x17: {  	[tilespmem:s19+$0x10] =	vst v0  }
0x18: {  	[tilespmem:s18+$0x10] =	vst v0  }
0x19: {  	[tilespmem:s19+$0xFFFFFFA0] =	vst v0  }
0x1a: {  	[tilespmem:s18+$0xFFFFFFA0] =	vst v0  }
0x1b: {  	[tilespmem:s19+$0x20] =	vst v0  }
0x1c: {  	[tilespmem:s18+$0x20] =	vst v0  }
0x1d: {  	[tilespmem:s19+$0xFFFFFFB0] =	vst v0  }
0x1e: {  	[tilespmem:s18+$0xFFFFFFB0] =	vst v0  }
0x1f: {  	[tilespmem:s19+$0x30] =	vst v0  }
0x20: {  	[tilespmem:s18+$0x30] =	vst v0  }
0x21: {  	[tilespmem:s19+$0xFFFFFFC0] =	vst v0  }
0x22: {  	[tilespmem:s18+$0xFFFFFFC0] =	vst v0  }
0x23: {  	[tilespmem:s19+$0x40] =	vst v0  }
0x24: {  	[tilespmem:s18+$0x40] =	vst v0  }
0x25: {  	[tilespmem:s19+$0xFFFFFFD0] =	vst v0  }
0x26: {  	[tilespmem:s18+$0xFFFFFFD0] =	vst v0  }
0x27: {  	[tilespmem:s19+$0x50] =	vst v0  }
0x28: {  	[tilespmem:s18+$0x50] =	vst v0  }
0x29: {  	[tilespmem:s19+$0xFFFFFFE0] =	vst v0  }
0x2a: {  	[tilespmem:s18+$0xFFFFFFE0] =	vst v0  }
0x2b: {  	[tilespmem:s19+$0x60] =	vst v0  }
0x2c: {  	[tilespmem:s18+$0x60] =	vst v0  }
0x2d: {  	[tilespmem:s19+$0xFFFFFFF0] =	vst v0  }
0x2e: {  	[tilespmem:s18+$0xFFFFFFF0] =	vst v0  }
0x2f: {  	[tilespmem:s19+$0x70] =	vst v0  }
0x30: {  	s20 =	simm.s32 $0x8180;
	s19 =	simm.s32 $0x0;
	[tilespmem:s18+$0x70] =	vst v0  }
.LBB2_2:
0x31: {  	[tilespmem:s20+$0xFFFFFF80] =	vst v0;
	s18 =	sadd.s32 $0x100, s18  }
0x32: {  	[tilespmem:s18+$0xFFFFFF80] =	vst v0  }
0x33: {  	[tilespmem:s20+$0x0] =	vst v0  }
0x34: {  	[tilespmem:s18+$0x0] =	vst v0  }
0x35: {  	[tilespmem:s20+$0xFFFFFF90] =	vst v0  }
0x36: {  	[tilespmem:s18+$0xFFFFFF90] =	vst v0  }
0x37: {  	[tilespmem:s20+$0x10] =	vst v0  }
0x38: {  	[tilespmem:s18+$0x10] =	vst v0  }
0x39: {  	[tilespmem:s20+$0xFFFFFFA0] =	vst v0  }
0x3a: {  	[tilespmem:s18+$0xFFFFFFA0] =	vst v0  }
0x3b: {  	[tilespmem:s20+$0x20] =	vst v0  }
0x3c: {  	[tilespmem:s18+$0x20] =	vst v0  }
0x3d: {  	[tilespmem:s20+$0xFFFFFFB0] =	vst v0  }
0x3e: {  	[tilespmem:s18+$0xFFFFFFB0] =	vst v0  }
0x3f: {  	[tilespmem:s20+$0x30] =	vst v0  }
0x40: {  	[tilespmem:s18+$0x30] =	vst v0  }
0x41: {  	[tilespmem:s20+$0xFFFFFFC0] =	vst v0  }
0x42: {  	[tilespmem:s18+$0xFFFFFFC0] =	vst v0  }
0x43: {  	[tilespmem:s20+$0x40] =	vst v0  }
0x44: {  	[tilespmem:s18+$0x40] =	vst v0  }
0x45: {  	[tilespmem:s20+$0xFFFFFFD0] =	vst v0  }
0x46: {  	[tilespmem:s18+$0xFFFFFFD0] =	vst v0  }
0x47: {  	[tilespmem:s20+$0x50] =	vst v0  }
0x48: {  	[tilespmem:s18+$0x50] =	vst v0  }
0x49: {  	[tilespmem:s20+$0xFFFFFFE0] =	vst v0  }
0x4a: {  	s19 =	sadd.s32 $0x8, s19;
	[tilespmem:s18+$0xFFFFFFE0] =	vst v0  }
0x4b: {  	p0 =	slt.u32 s19, $0x3F8;
	[tilespmem:s20+$0x60] =	vst v0  }
.Ltmp0:
0x4c: {  	[tilespmem:s18+$0x60] =	vst v0;
	(pc) =	sbr.rel @p0 .LBB2_2-.Ltmp0, $4  }
0x4d: {  	[tilespmem:s20+$0xFFFFFFF0] =	vst v0  }
0x4e: {  	[tilespmem:s18+$0xFFFFFFF0] =	vst v0  }
0x4f: {  	[tilespmem:s20+$0x70] =	vst v0  }
0x50: {  	s20 =	sadd.s32 $0x100, s20;
	[tilespmem:s18+$0x70] =	vst v0  }
0x51: {  	_ =	swait.ge [sflag:s11], $0x4000  }
0x52: {  	[sflag:s11] =	ssyncset.done $0x0  }
0x53: {  	[sflag:s11] =	ssyncadd.s32 $0xFFFFC000  }
0x54: {  	_ =	swait.ge [sflag:s12], $0x4000  }
0x55: {  	[sflag:s12] =	ssyncset.done $0x0  }
0x56: {  	[sflag:s12] =	ssyncadd.s32 $0xFFFFC000  }
0x57: {  	v1 =	vld [tilespmem:$0x0];
	_ =	sdelay $0x4  }
0x58: {  	v2 =	vshll.u32 v1, $0x1  }
0x59: {  	v1 =	vand.u32 $0x7F, v1;
	v2 =	vand.u32 $0xFFFFFF00, v2  }
0x5a: {  	v3 =	vld [tilespmem:$0x4000];
	v1 =	vor.u32 v1, v2;
	_ =	sdelay $0x4  }
0x5b: {  	[tilespmem:v1+s13+$0x0] =	vst.idx.add.f32.msk $0xffff, v3  }
0x5c: {  	v1 =	vld [tilespmem:$0x10];
	_ =	sdelay $0x4  }
0x5d: {  	v2 =	vshll.u32 v1, $0x1  }
0x5e: {  	v1 =	vand.u32 $0x7F, v1;
	v2 =	vand.u32 $0xFFFFFF00, v2  }
0x5f: {  	v3 =	vld [tilespmem:$0x4010];
	v1 =	vor.u32 v1, v2;
	_ =	sdelay $0x4  }
0x60: {  	[tilespmem:v1+s13+$0x0] =	vst.idx.add.f32.msk $0xffff, v3  }
0x61: {  	v1 =	vld [tilespmem:$0x20];
	_ =	sdelay $0x4  }
0x62: {  	v2 =	vshll.u32 v1, $0x1  }
0x63: {  	v1 =	vand.u32 $0x7F, v1;
	v2 =	vand.u32 $0xFFFFFF00, v2  }
0x64: {  	v3 =	vld [tilespmem:$0x4020];
	v1 =	vor.u32 v1, v2;
	_ =	sdelay $0x4  }
0x65: {  	[tilespmem:v1+s13+$0x0] =	vst.idx.add.f32.msk $0xffff, v3  }
0x66: {  	v1 =	vld [tilespmem:$0x30];
	_ =	sdelay $0x4  }
0x67: {  	v2 =	vshll.u32 v1, $0x1  }
0x68: {  	v1 =	vand.u32 $0x7F, v1;
	v2 =	vand.u32 $0xFFFFFF00, v2  }
0x69: {  	v3 =	vld [tilespmem:$0x4030];
	v1 =	vor.u32 v1, v2;
	_ =	sdelay $0x4  }
0x6a: {  	[tilespmem:v1+s13+$0x0] =	vst.idx.add.f32.msk $0xffff, v3  }
0x6b: {  	v1 =	vld [tilespmem:$0x80];
	_ =	sdelay $0x4  }
0x6c: {  	v2 =	vshll.u32 v1, $0x1  }
0x6d: {  	v1 =	vand.u32 $0x7F, v1;
	v2 =	vand.u32 $0xFFFFFF00, v2  }
0x6e: {  	v1 =	vor.u32 v2, v1  }
0x6f: {  	v2 =	vld [tilespmem:$0x4080];
	v1 =	vor.u32 $0x80, v1;
	_ =	sdelay $0x4  }
0x70: {  	[tilespmem:v1+s13+$0x0] =	vst.idx.add.f32.msk $0xffff, v2  }
0x71: {  	v1 =	vld [tilespmem:$0x90];
	_ =	sdelay $0x4  }
0x72: {  	v2 =	vshll.u32 v1, $0x1  }
0x73: {  	v1 =	vand.u32 $0x7F, v1;
	v2 =	vand.u32 $0xFFFFFF00, v2  }
0x74: {  	v1 =	vor.u32 v2, v1  }
0x75: {  	v2 =	vld [tilespmem:$0x4090];
	v1 =	vor.u32 $0x80, v1;
	_ =	sdelay $0x4  }
0x76: {  	[tilespmem:v1+s13+$0x0] =	vst.idx.add.f32.msk $0xffff, v2  }
0x77: {  	v1 =	vld [tilespmem:$0xA0];
	_ =	sdelay $0x4  }
0x78: {  	v2 =	vshll.u32 v1, $0x1  }
0x79: {  	v1 =	vand.u32 $0x7F, v1;
	v2 =	vand.u32 $0xFFFFFF00, v2  }
0x7a: {  	v1 =	vor.u32 v2, v1  }
0x7b: {  	v2 =	vld [tilespmem:$0x40A0];
	v1 =	vor.u32 $0x80, v1;
	_ =	sdelay $0x4  }
0x7c: {  	[tilespmem:v1+s13+$0x0] =	vst.idx.add.f32.msk $0xffff, v2  }
0x7d: {  	v1 =	vld [tilespmem:$0xB0];
	_ =	sdelay $0x4  }
0x7e: {  	v2 =	vshll.u32 v1, $0x1  }
0x7f: {  	v1 =	vand.u32 $0x7F, v1;
	v2 =	vand.u32 $0xFFFFFF00, v2  }
0x80: {  	v1 =	vor.u32 v2, v1  }
0x81: {  	v2 =	vld [tilespmem:$0x40B0];
	v1 =	vor.u32 $0x80, v1;
	_ =	sdelay $0x4  }
0x82: {  	[tilespmem:v1+s13+$0x0] =	vst.idx.add.f32.msk $0xffff, v2  }
0x83: {  	[hbm4b:s4+s14] =	stream.strided.scatter [tilespmem:s13], [sflag:$0x1], $0x8000, s15, s14, $0x38;
	[tilespmem:$0x18000] =	vst v63  }
0x84: {  	v1 =	vld [tilespmem:$0x100];
	_ =	sdelay $0x4  }
0x85: {  	v2 =	vshll.u32 v1, $0x1  }
0x86: {  	v1 =	vand.u32 $0x7F, v1;
	v2 =	vand.u32 $0xFFFFFF00, v2  }
0x87: {  	v3 =	vld [tilespmem:$0x4100];
	v1 =	vor.u32 v1, v2;
	_ =	sdelay $0x4  }
0x88: {  	[tilespmem:v1+s16+$0x0] =	vst.idx.add.f32.msk $0xffff, v3  }
0x89: {  	v1 =	vld [tilespmem:$0x110];
	_ =	sdelay $0x4  }
0x8a: {  	v2 =	vshll.u32 v1, $0x1  }
0x8b: {  	v1 =	vand.u32 $0x7F, v1;
	v2 =	vand.u32 $0xFFFFFF00, v2  }
0x8c: {  	v3 =	vld [tilespmem:$0x4110];
	v1 =	vor.u32 v1, v2;
	_ =	sdelay $0x4  }
0x8d: {  	[tilespmem:v1+s16+$0x0] =	vst.idx.add.f32.msk $0xffff, v3  }
0x8e: {  	v1 =	vld [tilespmem:$0x120];
	_ =	sdelay $0x4  }
0x8f: {  	v2 =	vshll.u32 v1, $0x1  }
0x90: {  	v1 =	vand.u32 $0x7F, v1;
	v2 =	vand.u32 $0xFFFFFF00, v2  }
0x91: {  	v3 =	vld [tilespmem:$0x4120];
	v1 =	vor.u32 v1, v2;
	_ =	sdelay $0x4  }
0x92: {  	[tilespmem:v1+s16+$0x0] =	vst.idx.add.f32.msk $0xffff, v3  }
0x93: {  	v1 =	vld [tilespmem:$0x130];
	_ =	sdelay $0x4  }
0x94: {  	v2 =	vshll.u32 v1, $0x1  }
0x95: {  	v1 =	vand.u32 $0x7F, v1;
	v2 =	vand.u32 $0xFFFFFF00, v2  }
0x96: {  	v3 =	vld [tilespmem:$0x4130];
	v1 =	vor.u32 v1, v2;
	_ =	sdelay $0x4  }
0x97: {  	[tilespmem:v1+s16+$0x0] =	vst.idx.add.f32.msk $0xffff, v3  }
0x98: {  	v1 =	vld [tilespmem:$0x180];
	_ =	sdelay $0x4  }
0x99: {  	v2 =	vshll.u32 v1, $0x1  }
0x9a: {  	v1 =	vand.u32 $0x7F, v1;
	v2 =	vand.u32 $0xFFFFFF00, v2  }
0x9b: {  	v1 =	vor.u32 v2, v1  }
0x9c: {  	v2 =	vld [tilespmem:$0x4180];
	v1 =	vor.u32 $0x80, v1;
	_ =	sdelay $0x4  }
0x9d: {  	[tilespmem:v1+s16+$0x0] =	vst.idx.add.f32.msk $0xffff, v2  }
0x9e: {  	v1 =	vld [tilespmem:$0x190];
	_ =	sdelay $0x4  }
0x9f: {  	v2 =	vshll.u32 v1, $0x1  }
0xa0: {  	v1 =	vand.u32 $0x7F, v1;
	v2 =	vand.u32 $0xFFFFFF00, v2  }
0xa1: {  	v1 =	vor.u32 v2, v1  }
0xa2: {  	v2 =	vld [tilespmem:$0x4190];
	v1 =	vor.u32 $0x80, v1;
	_ =	sdelay $0x4  }
0xa3: {  	[tilespmem:v1+s16+$0x0] =	vst.idx.add.f32.msk $0xffff, v2  }
0xa4: {  	v1 =	vld [tilespmem:$0x1A0];
	_ =	sdelay $0x4  }
0xa5: {  	v2 =	vshll.u32 v1, $0x1  }
0xa6: {  	v1 =	vand.u32 $0x7F, v1;
	v2 =	vand.u32 $0xFFFFFF00, v2  }
0xa7: {  	v1 =	vor.u32 v2, v1  }
0xa8: {  	v2 =	vld [tilespmem:$0x41A0];
	v1 =	vor.u32 $0x80, v1;
	_ =	sdelay $0x4  }
0xa9: {  	[tilespmem:v1+s16+$0x0] =	vst.idx.add.f32.msk $0xffff, v2  }
0xaa: {  	v1 =	vld [tilespmem:$0x1B0];
	_ =	sdelay $0x4  }
0xab: {  	v2 =	vshll.u32 v1, $0x1  }
0xac: {  	v1 =	vand.u32 $0x7F, v1;
	v2 =	vand.u32 $0xFFFFFF00, v2  }
0xad: {  	v1 =	vor.u32 v2, v1  }
0xae: {  	v2 =	vld [tilespmem:$0x41B0];
	v1 =	vor.u32 $0x80, v1;
	_ =	sdelay $0x3  }
0xaf: {  	s18 =	simm.s32 $0x2000  }
0xb0: {  	s19 =	simm.s32 $0x60;
	s20 =	simm.s32 $0x43B0;
	s21 =	simm.s32 $0x200;
	[tilespmem:v1+s16+$0x0] =	vst.idx.add.f32.msk $0xffff, v2  }
0xb1: {  	[hbm4b:s7+s14] =	stream.strided.scatter [tilespmem:s16], [sflag:$0x2], $0x8000, s15, s14, $0x38;
	[tilespmem:$0x18000] =	vst v63  }
.LBB2_4:
0xb2: {  	_ =	swait.ge [sflag:s11], $0x8000  }
0xb3: {  	[sflag:s11] =	ssyncset.done $0x0  }
0xb4: {  	[sflag:s11] =	ssyncadd.s32 $0xFFFF8000  }
0xb5: {  	v1 =	vld [tilespmem:s21+$0xFFFFFE00];
	_ =	sdelay $0x4  }
0xb6: {  	v2 =	vshll.u32 v1, $0x1  }
0xb7: {  	v1 =	vand.u32 $0x7F, v1;
	v2 =	vand.u32 $0xFFFFFF00, v2  }
0xb8: {  	v1 =	vor.u32 v1, v2;
	_ =	sdelay $0x4  }
0xb9: {  	[tilespmem:v1+s13+$0x0] =	vst.idx.msk $0xffff, v0  }
0xba: {  	v1 =	vld [tilespmem:s21+$0xFFFFFE10];
	_ =	sdelay $0x4  }
0xbb: {  	v2 =	vshll.u32 v1, $0x1  }
0xbc: {  	v1 =	vand.u32 $0x7F, v1;
	v2 =	vand.u32 $0xFFFFFF00, v2  }
0xbd: {  	v1 =	vor.u32 v1, v2;
	_ =	sdelay $0x4  }
0xbe: {  	[tilespmem:v1+s13+$0x0] =	vst.idx.msk $0xffff, v0  }
0xbf: {  	v1 =	vld [tilespmem:s21+$0xFFFFFE20];
	_ =	sdelay $0x4  }
0xc0: {  	v2 =	vshll.u32 v1, $0x1  }
0xc1: {  	v1 =	vand.u32 $0x7F, v1;
	v2 =	vand.u32 $0xFFFFFF00, v2  }
0xc2: {  	v1 =	vor.u32 v1, v2;
	_ =	sdelay $0x4  }
0xc3: {  	[tilespmem:v1+s13+$0x0] =	vst.idx.msk $0xffff, v0  }
0xc4: {  	v1 =	vld [tilespmem:s21+$0xFFFFFE30];
	_ =	sdelay $0x4  }
0xc5: {  	v2 =	vshll.u32 v1, $0x1  }
0xc6: {  	v1 =	vand.u32 $0x7F, v1;
	v2 =	vand.u32 $0xFFFFFF00, v2  }
0xc7: {  	v1 =	vor.u32 v1, v2;
	_ =	sdelay $0x4  }
0xc8: {  	[tilespmem:v1+s13+$0x0] =	vst.idx.msk $0xffff, v0  }
0xc9: {  	v1 =	vld [tilespmem:s21+$0xFFFFFE80];
	_ =	sdelay $0x4  }
0xca: {  	v2 =	vshll.u32 v1, $0x1  }
0xcb: {  	v1 =	vand.u32 $0x7F, v1;
	v2 =	vand.u32 $0xFFFFFF00, v2  }
0xcc: {  	v1 =	vor.u32 v2, v1  }
0xcd: {  	v1 =	vor.u32 $0x80, v1;
	_ =	sdelay $0x4  }
0xce: {  	[tilespmem:v1+s13+$0x0] =	vst.idx.msk $0xffff, v0  }
0xcf: {  	v1 =	vld [tilespmem:s21+$0xFFFFFE90];
	_ =	sdelay $0x4  }
0xd0: {  	v2 =	vshll.u32 v1, $0x1  }
0xd1: {  	v1 =	vand.u32 $0x7F, v1;
	v2 =	vand.u32 $0xFFFFFF00, v2  }
0xd2: {  	v1 =	vor.u32 v2, v1  }
0xd3: {  	v1 =	vor.u32 $0x80, v1;
	_ =	sdelay $0x4  }
0xd4: {  	[tilespmem:v1+s13+$0x0] =	vst.idx.msk $0xffff, v0  }
0xd5: {  	v1 =	vld [tilespmem:s21+$0xFFFFFEA0];
	_ =	sdelay $0x4  }
0xd6: {  	v2 =	vshll.u32 v1, $0x1  }
0xd7: {  	v1 =	vand.u32 $0x7F, v1;
	v2 =	vand.u32 $0xFFFFFF00, v2  }
0xd8: {  	v1 =	vor.u32 v2, v1  }
0xd9: {  	v1 =	vor.u32 $0x80, v1;
	_ =	sdelay $0x4  }
0xda: {  	[tilespmem:v1+s13+$0x0] =	vst.idx.msk $0xffff, v0  }
0xdb: {  	v1 =	vld [tilespmem:s21+$0xFFFFFEB0];
	_ =	sdelay $0x4  }
0xdc: {  	v2 =	vshll.u32 v1, $0x1  }
0xdd: {  	v1 =	vand.u32 $0x7F, v1;
	v2 =	vand.u32 $0xFFFFFF00, v2  }
0xde: {  	v1 =	vor.u32 v2, v1  }
0xdf: {  	v1 =	vor.u32 $0x80, v1;
	_ =	sdelay $0x4  }
0xe0: {  	[tilespmem:v1+s13+$0x0] =	vst.idx.msk $0xffff, v0  }
0xe1: {  	v1 =	vld [tilespmem:s21+$0x0];
	_ =	sdelay $0x4  }
0xe2: {  	v2 =	vshll.u32 v1, $0x1  }
0xe3: {  	v1 =	vand.u32 $0x7F, v1;
	v2 =	vand.u32 $0xFFFFFF00, v2  }
0xe4: {  	v3 =	vld [tilespmem:s20+$0xFFFFFE50];
	v1 =	vor.u32 v1, v2;
	_ =	sdelay $0x4  }
0xe5: {  	[tilespmem:v1+s13+$0x0] =	vst.idx.add.f32.msk $0xffff, v3  }
0xe6: {  	v1 =	vld [tilespmem:s21+$0x10];
	_ =	sdelay $0x4  }
0xe7: {  	v2 =	vshll.u32 v1, $0x1  }
0xe8: {  	v1 =	vand.u32 $0x7F, v1;
	v2 =	vand.u32 $0xFFFFFF00, v2  }
0xe9: {  	v3 =	vld [tilespmem:s20+$0xFFFFFE60];
	v1 =	vor.u32 v1, v2;
	_ =	sdelay $0x4  }
0xea: {  	[tilespmem:v1+s13+$0x0] =	vst.idx.add.f32.msk $0xffff, v3  }
0xeb: {  	v1 =	vld [tilespmem:s21+$0x20];
	_ =	sdelay $0x4  }
0xec: {  	v2 =	vshll.u32 v1, $0x1  }
0xed: {  	v1 =	vand.u32 $0x7F, v1;
	v2 =	vand.u32 $0xFFFFFF00, v2  }
0xee: {  	v3 =	vld [tilespmem:s20+$0xFFFFFE70];
	v1 =	vor.u32 v1, v2;
	_ =	sdelay $0x4  }
0xef: {  	[tilespmem:v1+s13+$0x0] =	vst.idx.add.f32.msk $0xffff, v3  }
0xf0: {  	v1 =	vld [tilespmem:s21+$0x30];
	_ =	sdelay $0x4  }
0xf1: {  	v2 =	vshll.u32 v1, $0x1  }
0xf2: {  	v1 =	vand.u32 $0x7F, v1;
	v2 =	vand.u32 $0xFFFFFF00, v2  }
0xf3: {  	v3 =	vld [tilespmem:s20+$0xFFFFFE80];
	v1 =	vor.u32 v1, v2;
	_ =	sdelay $0x4  }
0xf4: {  	[tilespmem:v1+s13+$0x0] =	vst.idx.add.f32.msk $0xffff, v3  }
0xf5: {  	v1 =	vld [tilespmem:s21+$0x80];
	_ =	sdelay $0x4  }
0xf6: {  	v2 =	vshll.u32 v1, $0x1  }
0xf7: {  	v1 =	vand.u32 $0x7F, v1;
	v2 =	vand.u32 $0xFFFFFF00, v2  }
0xf8: {  	v1 =	vor.u32 v2, v1  }
0xf9: {  	v2 =	vld [tilespmem:s20+$0xFFFFFED0];
	v1 =	vor.u32 $0x80, v1;
	_ =	sdelay $0x4  }
0xfa: {  	[tilespmem:v1+s13+$0x0] =	vst.idx.add.f32.msk $0xffff, v2  }
0xfb: {  	v1 =	vld [tilespmem:s21+$0x90];
	_ =	sdelay $0x4  }
0xfc: {  	v2 =	vshll.u32 v1, $0x1  }
0xfd: {  	v1 =	vand.u32 $0x7F, v1;
	v2 =	vand.u32 $0xFFFFFF00, v2  }
0xfe: {  	v1 =	vor.u32 v2, v1  }
0xff: {  	v2 =	vld [tilespmem:s20+$0xFFFFFEE0];
	v1 =	vor.u32 $0x80, v1;
	_ =	sdelay $0x4  }
0x100: {  	[tilespmem:v1+s13+$0x0] =	vst.idx.add.f32.msk $0xffff, v2  }
0x101: {  	v1 =	vld [tilespmem:s21+$0xA0];
	_ =	sdelay $0x4  }
0x102: {  	v2 =	vshll.u32 v1, $0x1  }
0x103: {  	v1 =	vand.u32 $0x7F, v1;
	v2 =	vand.u32 $0xFFFFFF00, v2  }
0x104: {  	v1 =	vor.u32 v2, v1  }
0x105: {  	v2 =	vld [tilespmem:s20+$0xFFFFFEF0];
	v1 =	vor.u32 $0x80, v1;
	_ =	sdelay $0x4  }
0x106: {  	[tilespmem:v1+s13+$0x0] =	vst.idx.add.f32.msk $0xffff, v2  }
0x107: {  	v1 =	vld [tilespmem:s21+$0xB0];
	_ =	sdelay $0x4  }
0x108: {  	v2 =	vshll.u32 v1, $0x1  }
0x109: {  	v1 =	vand.u32 $0x7F, v1;
	v2 =	vand.u32 $0xFFFFFF00, v2  }
0x10a: {  	v1 =	vor.u32 v2, v1  }
0x10b: {  	v2 =	vld [tilespmem:s20+$0xFFFFFF00];
	v1 =	vor.u32 $0x80, v1;
	_ =	sdelay $0x1  }
0x10c: {  	s22 =	sadd.s32 $0xFFFFFFE0, s19  }
0x10d: {  	s23 =	sand.u32 $0x3C000, s18;
	s22 =	sand.u32 $0x40, s22  }
0x10e: {  	s22 =	sor.u32 s22, s23  }
0x10f: {  	s22 =	sadd.s32 s22, s4;
	[tilespmem:v1+s13+$0x0] =	vst.idx.add.f32.msk $0xffff, v2  }
0x110: {  	[hbm4b:s22+s14] =	stream.strided.scatter [tilespmem:s13], [sflag:$0x1], $0x8000, s15, s14, $0x38;
	[tilespmem:$0x18000] =	vst v63  }
0x111: {  	_ =	swait.ge [sflag:s12], $0x8000  }
0x112: {  	[sflag:s12] =	ssyncset.done $0x0  }
0x113: {  	[sflag:s12] =	ssyncadd.s32 $0xFFFF8000  }
0x114: {  	v1 =	vld [tilespmem:s21+$0xFFFFFF00];
	_ =	sdelay $0x4  }
0x115: {  	v2 =	vshll.u32 v1, $0x1  }
0x116: {  	v1 =	vand.u32 $0x7F, v1;
	v2 =	vand.u32 $0xFFFFFF00, v2  }
0x117: {  	v1 =	vor.u32 v1, v2;
	_ =	sdelay $0x4  }
0x118: {  	[tilespmem:v1+s16+$0x0] =	vst.idx.msk $0xffff, v0  }
0x119: {  	v1 =	vld [tilespmem:s21+$0xFFFFFF10];
	_ =	sdelay $0x4  }
0x11a: {  	v2 =	vshll.u32 v1, $0x1  }
0x11b: {  	v1 =	vand.u32 $0x7F, v1;
	v2 =	vand.u32 $0xFFFFFF00, v2  }
0x11c: {  	v1 =	vor.u32 v1, v2;
	_ =	sdelay $0x4  }
0x11d: {  	[tilespmem:v1+s16+$0x0] =	vst.idx.msk $0xffff, v0  }
0x11e: {  	v1 =	vld [tilespmem:s21+$0xFFFFFF20];
	_ =	sdelay $0x4  }
0x11f: {  	v2 =	vshll.u32 v1, $0x1  }
0x120: {  	v1 =	vand.u32 $0x7F, v1;
	v2 =	vand.u32 $0xFFFFFF00, v2  }
0x121: {  	v1 =	vor.u32 v1, v2;
	_ =	sdelay $0x4  }
0x122: {  	[tilespmem:v1+s16+$0x0] =	vst.idx.msk $0xffff, v0  }
0x123: {  	v1 =	vld [tilespmem:s21+$0xFFFFFF30];
	_ =	sdelay $0x4  }
0x124: {  	v2 =	vshll.u32 v1, $0x1  }
0x125: {  	v1 =	vand.u32 $0x7F, v1;
	v2 =	vand.u32 $0xFFFFFF00, v2  }
0x126: {  	v1 =	vor.u32 v1, v2;
	_ =	sdelay $0x4  }
0x127: {  	[tilespmem:v1+s16+$0x0] =	vst.idx.msk $0xffff, v0  }
0x128: {  	v1 =	vld [tilespmem:s21+$0xFFFFFF80];
	_ =	sdelay $0x4  }
0x129: {  	v2 =	vshll.u32 v1, $0x1  }
0x12a: {  	v1 =	vand.u32 $0x7F, v1;
	v2 =	vand.u32 $0xFFFFFF00, v2  }
0x12b: {  	v1 =	vor.u32 v2, v1  }
0x12c: {  	v1 =	vor.u32 $0x80, v1;
	_ =	sdelay $0x4  }
0x12d: {  	[tilespmem:v1+s16+$0x0] =	vst.idx.msk $0xffff, v0  }
0x12e: {  	v1 =	vld [tilespmem:s21+$0xFFFFFF90];
	_ =	sdelay $0x4  }
0x12f: {  	v2 =	vshll.u32 v1, $0x1  }
0x130: {  	v1 =	vand.u32 $0x7F, v1;
	v2 =	vand.u32 $0xFFFFFF00, v2  }
0x131: {  	v1 =	vor.u32 v2, v1  }
0x132: {  	v1 =	vor.u32 $0x80, v1;
	_ =	sdelay $0x4  }
0x133: {  	[tilespmem:v1+s16+$0x0] =	vst.idx.msk $0xffff, v0  }
0x134: {  	v1 =	vld [tilespmem:s21+$0xFFFFFFA0];
	_ =	sdelay $0x4  }
0x135: {  	v2 =	vshll.u32 v1, $0x1  }
0x136: {  	v1 =	vand.u32 $0x7F, v1;
	v2 =	vand.u32 $0xFFFFFF00, v2  }
0x137: {  	v1 =	vor.u32 v2, v1  }
0x138: {  	v1 =	vor.u32 $0x80, v1;
	_ =	sdelay $0x4  }
0x139: {  	[tilespmem:v1+s16+$0x0] =	vst.idx.msk $0xffff, v0  }
0x13a: {  	v1 =	vld [tilespmem:s21+$0xFFFFFFB0];
	_ =	sdelay $0x4  }
0x13b: {  	v2 =	vshll.u32 v1, $0x1  }
0x13c: {  	v1 =	vand.u32 $0x7F, v1;
	v2 =	vand.u32 $0xFFFFFF00, v2  }
0x13d: {  	v1 =	vor.u32 v2, v1  }
0x13e: {  	v1 =	vor.u32 $0x80, v1;
	_ =	sdelay $0x4  }
0x13f: {  	[tilespmem:v1+s16+$0x0] =	vst.idx.msk $0xffff, v0  }
0x140: {  	v1 =	vld [tilespmem:s21+$0x100];
	_ =	sdelay $0x4  }
0x141: {  	v2 =	vshll.u32 v1, $0x1  }
0x142: {  	v1 =	vand.u32 $0x7F, v1;
	v2 =	vand.u32 $0xFFFFFF00, v2  }
0x143: {  	v3 =	vld [tilespmem:s20+$0xFFFFFF50];
	v1 =	vor.u32 v1, v2;
	_ =	sdelay $0x4  }
0x144: {  	[tilespmem:v1+s16+$0x0] =	vst.idx.add.f32.msk $0xffff, v3  }
0x145: {  	v1 =	vld [tilespmem:s21+$0x110];
	_ =	sdelay $0x4  }
0x146: {  	v2 =	vshll.u32 v1, $0x1  }
0x147: {  	v1 =	vand.u32 $0x7F, v1;
	v2 =	vand.u32 $0xFFFFFF00, v2  }
0x148: {  	v3 =	vld [tilespmem:s20+$0xFFFFFF60];
	v1 =	vor.u32 v1, v2;
	_ =	sdelay $0x4  }
0x149: {  	[tilespmem:v1+s16+$0x0] =	vst.idx.add.f32.msk $0xffff, v3  }
0x14a: {  	v1 =	vld [tilespmem:s21+$0x120];
	_ =	sdelay $0x4  }
0x14b: {  	v2 =	vshll.u32 v1, $0x1  }
0x14c: {  	v1 =	vand.u32 $0x7F, v1;
	v2 =	vand.u32 $0xFFFFFF00, v2  }
0x14d: {  	v3 =	vld [tilespmem:s20+$0xFFFFFF70];
	v1 =	vor.u32 v1, v2;
	_ =	sdelay $0x4  }
0x14e: {  	[tilespmem:v1+s16+$0x0] =	vst.idx.add.f32.msk $0xffff, v3  }
0x14f: {  	v1 =	vld [tilespmem:s21+$0x130];
	_ =	sdelay $0x4  }
0x150: {  	v2 =	vshll.u32 v1, $0x1  }
0x151: {  	v1 =	vand.u32 $0x7F, v1;
	v2 =	vand.u32 $0xFFFFFF00, v2  }
0x152: {  	v3 =	vld [tilespmem:s20+$0xFFFFFF80];
	v1 =	vor.u32 v1, v2;
	_ =	sdelay $0x4  }
0x153: {  	[tilespmem:v1+s16+$0x0] =	vst.idx.add.f32.msk $0xffff, v3  }
0x154: {  	v1 =	vld [tilespmem:s21+$0x180];
	_ =	sdelay $0x4  }
0x155: {  	v2 =	vshll.u32 v1, $0x1  }
0x156: {  	v1 =	vand.u32 $0x7F, v1;
	v2 =	vand.u32 $0xFFFFFF00, v2  }
0x157: {  	v1 =	vor.u32 v2, v1  }
0x158: {  	v2 =	vld [tilespmem:s20+$0xFFFFFFD0];
	v1 =	vor.u32 $0x80, v1;
	_ =	sdelay $0x4  }
0x159: {  	[tilespmem:v1+s16+$0x0] =	vst.idx.add.f32.msk $0xffff, v2  }
0x15a: {  	v1 =	vld [tilespmem:s21+$0x190];
	_ =	sdelay $0x4  }
0x15b: {  	v2 =	vshll.u32 v1, $0x1  }
0x15c: {  	v1 =	vand.u32 $0x7F, v1;
	v2 =	vand.u32 $0xFFFFFF00, v2  }
0x15d: {  	v1 =	vor.u32 v2, v1  }
0x15e: {  	v2 =	vld [tilespmem:s20+$0xFFFFFFE0];
	v1 =	vor.u32 $0x80, v1;
	_ =	sdelay $0x4  }
0x15f: {  	[tilespmem:v1+s16+$0x0] =	vst.idx.add.f32.msk $0xffff, v2  }
0x160: {  	v1 =	vld [tilespmem:s21+$0x1A0];
	_ =	sdelay $0x4  }
0x161: {  	v2 =	vshll.u32 v1, $0x1  }
0x162: {  	v1 =	vand.u32 $0x7F, v1;
	v2 =	vand.u32 $0xFFFFFF00, v2  }
0x163: {  	v1 =	vor.u32 v2, v1  }
0x164: {  	v2 =	vld [tilespmem:s20+$0xFFFFFFF0];
	v1 =	vor.u32 $0x80, v1;
	_ =	sdelay $0x4  }
0x165: {  	[tilespmem:v1+s16+$0x0] =	vst.idx.add.f32.msk $0xffff, v2  }
0x166: {  	v1 =	vld [tilespmem:s21+$0x1B0];
	_ =	sdelay $0x4  }
0x167: {  	v2 =	vshll.u32 v1, $0x1  }
0x168: {  	v1 =	vand.u32 $0x7F, v1;
	v2 =	vand.u32 $0xFFFFFF00, v2  }
0x169: {  	v1 =	vor.u32 v2, v1  }
0x16a: {  	v2 =	vld [tilespmem:s20+$0x0];
	v1 =	vor.u32 $0x80, v1  }
0x16b: {  	p0 =	sne.s32 s18, $0x3E000  }
.Ltmp1:
0x16c: {  	_ = 	snop;
	(pc) =	sbr.rel @p0 .LBB2_4-.Ltmp1, $4  }
0x16d: {  	s30 =	sadd.s32 s18, s9;
	s31 =	sand.u32 $0x60, s19;
	s19 =	sadd.s32 $0x40, s19  }
0x16e: {  	s18 =	sadd.s32 $0x2000, s18;
	s23 =	sadd.s32 s2, s31;
	s22 =	sand.u32 $0x7FC000, s30  }
0x16f: {  	s22 =	sadd.s32 s22, s23;
	s21 =	sadd.s32 $0x200, s21;
	s20 =	sadd.s32 $0x200, s20;
	[tilespmem:v1+s16+$0x0] =	vst.idx.add.f32.msk $0xffff, v2  }
0x170: {  	[hbm4b:s22+s14] =	stream.strided.scatter [tilespmem:s16], [sflag:$0x2], $0x8000, s15, s14, $0x38;
	[tilespmem:$0x18000] =	vst v63  }
0x171: {  	s17 =	sadd.s32 $0x1, s17  }
0x172: {  	_ =	swait.ge [sflag:s11], $0x8000;
	p0 =	sne.s32 s17, s8  }
.Ltmp2:
0x173: {  	[sflag:s11] =	ssyncset.done $0x0;
	(pc) =	sbr.rel @p0 .LBB2_1-.Ltmp2, $4  }
0x174: {  	[sflag:s11] =	ssyncadd.s32 $0xFFFF8000  }
0x175: {  	_ =	swait.ge [sflag:s12], $0x8000  }
0x176: {  	[sflag:s12] =	ssyncset.done $0x0  }
0x177: {  	[sflag:s12] =	ssyncadd.s32 $0xFFFF8000  }
0x178: {  	_ =	sfence.sel $0x180000  }
0x179: {  	[bflag:$0x0] =	sbarrier.arrive $0xFFFF  }
0x17a: {  	p0 =	sne.s32 s1, $0x0;
	_ =	strace $0x90000047  }
0x17b: {  	s0 =	sadd.s32 @!p0 $0x100000, s0;
	[bflag:$0x2] =	sbarrier.arrive $0xFFFF  }
0x17c: {  	[sflag:s0] =	ssyncadd.tile.s32 @!p0 $0x1;
	_ =	shalt  }
.Lfunc_end2:
_tile_overlayer_lowered:
.L_overlay_start_2:
0x17d: {  	(tag) =	ssettag $0x2  }
0x17e: {  	s0 =	rddreg [dreg:$0x0];
	s2 =	stileid.u32  }
0x17f: {  	s1 =	rddreg [dreg:$0x1];
	p0 =	sne.s32 s2, $0x0  }
0x180: {  	s3 =	rddreg [dreg:$0x2];
	[bflag:$0x3] =	sbarrier.arrive $0xFFFF;
	s2 =	simm.s32 @!p0 $0x1C03  }
0x181: {  	[timem:s3], [sflag:s2] =	dma.local @!p0 [hbm:s0], s1  }
0x182: {  	s0 =	simm.s32 @!p0 $0x3  }
0x183: {  	_ =	swait.ge @!p0 [sflag:s0], s1  }
0x184: {  	s1 =	ssub.s32 @!p0 $0x0, s1;
	[sflag:s0] =	ssyncset.done @!p0 $0x0  }
0x185: {  	[sflag:s0] =	ssyncadd.s32 @!p0 s1  }
0x186: {  	[bflag:$0x3] =	sbarrier.arrive $0xFFFF  }
0x187: {  	_ =	shalt  }

</sc_bundles>
